<compile_context>
chip_gen: v7x
topology: tpu7x:2x2x1
jax: 0.10.2.dev20260603
libtpu: 0.0.44.dev20260713+nightly
codegen_flags: <defaults>
</compile_context>

<pallas_src>
import functools

import jax
import jax.numpy as jnp
from jax import lax
from jax.experimental import pallas as pl
from jax.experimental.pallas import tpu as pltpu
from jax.experimental.pallas import tpu_sc as plsc

N = 10000
NPAD = 10240
TRASH = NPAD - N
E = 320000
C = 128
TILES = 32
CHUNKS = (E + TILES * C - 1) // (TILES * C)
EPAD = TILES * CHUNKS * C
ROWS_PER_TILE = NPAD // 16

@functools.cache
def _make_deg():
  mesh = plsc.VectorSubcoreMesh(core_axis_name="c", subcore_axis_name="s")

  @functools.partial(
      pl.kernel,
      out_type=jax.ShapeDtypeStruct((2, NPAD, 1), jnp.float32),
      mesh=mesh,
      compiler_params=pltpu.CompilerParams(use_tc_tiling_on_sc=False),
      scratch_types=[
          pltpu.VMEM((CHUNKS, C), jnp.int32),
          pltpu.VMEM((C, 1), jnp.float32),
          pltpu.VMEM((ROWS_PER_TILE, 1), jnp.float32),
          pltpu.VMEM_SHARED((NPAD, 1), jnp.float32),
      ],
  )
  def _deg_kernel(ones_c_hbm, ones_rows_hbm, dst_hbm, out_hbm,
                  dst_v, ones_v, stage_v, acc_sh):
      c = lax.axis_index("c")
      s = lax.axis_index("s")
      t = c * 16 + s
      base = s * ROWS_PER_TILE
      pltpu.sync_copy(dst_hbm.at[t], dst_v)
      pltpu.sync_copy(ones_c_hbm, ones_v)
      pltpu.sync_copy(ones_rows_hbm, stage_v)
      pltpu.sync_copy(stage_v, acc_sh.at[pl.ds(base, ROWS_PER_TILE)])
      plsc.subcore_barrier()

      @pl.loop(0, CHUNKS)
      def _(j):
          pltpu.sync_copy(ones_v, acc_sh.at[dst_v.at[j]], add=True)

      plsc.subcore_barrier()
      pltpu.sync_copy(acc_sh.at[pl.ds(base, ROWS_PER_TILE)], stage_v)
      pltpu.sync_copy(stage_v, out_hbm.at[c, pl.ds(base, ROWS_PER_TILE)])

  return _deg_kernel


@functools.cache
def _make_prop(D):
    mesh = plsc.VectorSubcoreMesh(core_axis_name="c", subcore_axis_name="s")

    @functools.partial(
        pl.kernel,
        out_type=jax.ShapeDtypeStruct((2, NPAD, D), jnp.float32),
        mesh=mesh,
        compiler_params=pltpu.CompilerParams(use_tc_tiling_on_sc=False),
        scratch_types=[
            pltpu.VMEM((CHUNKS, C), jnp.int32),
            pltpu.VMEM((CHUNKS, C), jnp.int32),
            pltpu.VMEM((C, D), jnp.float32),
            pltpu.VMEM((ROWS_PER_TILE, D), jnp.float32),
            pltpu.VMEM_SHARED((NPAD, D), jnp.float32),
            pltpu.SemaphoreType.DMA,
        ],
    )
    def prop(g_hbm, src_hbm, dst_hbm, out_hbm,
             src_v, dst_v, rows_v, stage_v, acc_sh, sem):
        c = lax.axis_index("c")
        s = lax.axis_index("s")
        t = c * 16 + s
        base = s * ROWS_PER_TILE
        pltpu.sync_copy(src_hbm.at[t], src_v)
        pltpu.sync_copy(dst_hbm.at[t], dst_v)
        pltpu.sync_copy(g_hbm.at[pl.ds(base, ROWS_PER_TILE)], stage_v)
        pltpu.sync_copy(stage_v, acc_sh.at[pl.ds(base, ROWS_PER_TILE)])
        plsc.subcore_barrier()

        @pl.loop(0, CHUNKS)
        def _(j):
            pltpu.async_copy(g_hbm.at[src_v.at[j]], rows_v, sem).wait()
            pltpu.sync_copy(rows_v, acc_sh.at[dst_v.at[j]], add=True)

        plsc.subcore_barrier()
        pltpu.sync_copy(acc_sh.at[pl.ds(base, ROWS_PER_TILE)], stage_v)
        pltpu.sync_copy(stage_v, out_hbm.at[c, pl.ds(base, ROWS_PER_TILE)])

    return prop


_B = 1024


def _k2_body(x_ref, a_ref, w_ref, g_ref, dis_ref):
    i = pl.program_id(0)
    deg = a_ref[0] + a_ref[1] - 1.0
    row = lax.broadcasted_iota(jnp.int32, (_B, 1), 0) + i * _B
    dis = jnp.where(row < N, lax.rsqrt(deg), 0.0)
    dis_ref[...] = dis
    g_ref[...] = jnp.dot(x_ref[...], w_ref[...],
                         preferred_element_type=jnp.float32) * dis


def _k2(xp, acc_deg, W1):
    return pl.pallas_call(
        _k2_body,
        grid=(NPAD // _B,),
        in_specs=[
            pl.BlockSpec((_B, 128), lambda i: (i, 0)),
            pl.BlockSpec((2, _B, 1), lambda i: (0, i, 0)),
            pl.BlockSpec((128, 64), lambda i: (0, 0)),
        ],
        out_specs=[
            pl.BlockSpec((_B, 64), lambda i: (i, 0)),
            pl.BlockSpec((_B, 1), lambda i: (i, 0)),
        ],
        out_shape=[
            jax.ShapeDtypeStruct((NPAD, 64), jnp.float32),
            jax.ShapeDtypeStruct((NPAD, 1), jnp.float32),
        ],
    )(xp, acc_deg, W1)


def _k4_body(a_ref, g1_ref, dis_ref, w_ref, b_ref, g2_ref):
    s1 = a_ref[0] + a_ref[1] - g1_ref[...]
    dis = dis_ref[...]
    h1 = jnp.maximum(dis * s1 + b_ref[...], 0.0)
    g2_ref[...] = jnp.dot(h1, w_ref[...],
                          preferred_element_type=jnp.float32) * dis


def _k4(acc1, g1, dis, W2, b1):
    return pl.pallas_call(
        _k4_body,
        grid=(NPAD // _B,),
        in_specs=[
            pl.BlockSpec((2, _B, 64), lambda i: (0, i, 0)),
            pl.BlockSpec((_B, 64), lambda i: (i, 0)),
            pl.BlockSpec((_B, 1), lambda i: (i, 0)),
            pl.BlockSpec((64, 32), lambda i: (0, 0)),
            pl.BlockSpec((1, 64), lambda i: (0, 0)),
        ],
        out_specs=pl.BlockSpec((_B, 32), lambda i: (i, 0)),
        out_shape=jax.ShapeDtypeStruct((NPAD, 32), jnp.float32),
    )(acc1, g1, dis, W2, b1)


def _k6_body(a_ref, g2_ref, dis_ref, b2_ref, wf1_ref, bf1_ref, wf2_ref,
             bf2_ref, wl_ref, bl_ref, emb_ref, pen_ref, pred_ref):
    s2 = a_ref[0] + a_ref[1] - g2_ref[...]
    h2 = dis_ref[...] * s2 + b2_ref[...]
    a1 = jnp.tanh(jnp.dot(h2, wf1_ref[...],
                          preferred_element_type=jnp.float32) + bf1_ref[...])
    lg = jnp.dot(a1, wf2_ref[...],
                 preferred_element_type=jnp.float32) + bf2_ref[...]
    row = lax.broadcasted_iota(jnp.int32, (NPAD, 1), 0)
    lg = jnp.where(row < N, lg, -1e30)
    m = jnp.max(lg, axis=0, keepdims=True)
    e = jnp.exp(lg - m)
    z = jnp.sum(e, axis=0, keepdims=True)
    att = e / z
    emb = lax.dot_general(att, h2, (((0,), (0,)), ((), ())),
                          preferred_element_type=jnp.float32)
    emb_ref[...] = emb
    pp = lax.dot_general(att, att, (((0,), (0,)), ((), ())),
                         preferred_element_type=jnp.float32)
    pp = pp - jnp.eye(8, dtype=jnp.float32)
    pen = jnp.sum(jnp.sqrt(jnp.sum(pp * pp, axis=1)))
    pen_ref[...] = jnp.reshape(pen, (1, 1))
    zt = bl_ref[...]
    for i2 in range(8):
        zt = zt + jnp.dot(emb[i2:i2 + 1, :], wl_ref[i2],
                          preferred_element_type=jnp.float32)
    mz = jnp.max(zt, axis=1, keepdims=True)
    lse = jnp.log(jnp.sum(jnp.exp(zt - mz), axis=1, keepdims=True))
    pred_ref[...] = zt - mz - lse


def _k6(acc2, g2, dis, b2, Wf1, bf1, Wf2, bf2, Wl_r, bl):
    return pl.pallas_call(
        _k6_body,
        out_shape=[
            jax.ShapeDtypeStruct((8, 32), jnp.float32),
            jax.ShapeDtypeStruct((1, 1), jnp.float32),
            jax.ShapeDtypeStruct((1, 10), jnp.float32),
        ],
    )(acc2, g2, dis, b2, Wf1, bf1, Wf2, bf2, Wl_r, bl)


def kernel(features, edges, W1, b1, W2, b2, Wf1, bf1, Wf2, bf2, Wl, bl):
    f32 = jnp.float32
    xp = jnp.pad(features, ((0, NPAD - N), (0, 0)))
    npad = EPAD - E
    trash = N + (jnp.arange(npad, dtype=jnp.int32) % TRASH)
    src = jnp.concatenate([edges[0], trash]).reshape(TILES, CHUNKS, C)
    dst = jnp.concatenate([edges[1], trash]).reshape(TILES, CHUNKS, C)
    ones_c = jnp.ones((C, 1), f32)
    ones_rows = jnp.ones((ROWS_PER_TILE, 1), f32)

    acc_deg = _make_deg()(ones_c, ones_rows, dst)
    g1, dis = _k2(xp, acc_deg, W1)
    acc1 = _make_prop(64)(g1, src, dst)
    g2 = _k4(acc1, g1, dis, W2, b1.reshape(1, 64))
    acc2 = _make_prop(32)(g2, src, dst)
    emb, pen, pred = _k6(acc2, g2, dis, b2.reshape(1, 32), Wf1,
                         bf1.reshape(1, 16), Wf2, bf2.reshape(1, 8),
                         Wl.reshape(8, 32, 10), bl.reshape(1, 10))
    return (emb.reshape(1, 256), pen[0, 0], pred)

# --- scband reference (transcript-rebuilt; emitter-appended) ---
"""Pipeline reference for scband-sage-27814208209241 (READ-ONLY COPY).

The authoritative reference and input builder live on the scoring server;
editing this copy changes nothing except your own understanding.
"""

import jax, jax.numpy as jnp
import numpy as np

N = 10000
E = 320000
D_IN = 128
D_G1 = 64
D_G2 = 32
D_F1 = 16
D_F2 = 8
N_LABELS = 10

def setup_inputs(seed: int = 0) -> dict:
    key = jax.random.key(seed)
    ks = jax.random.split(key, 12)
    features = jax.random.normal(ks[0], (N, D_IN), dtype=jnp.float32)
    edges = jax.random.randint(ks[1], (2, E), 0, N, dtype=jnp.int32)
    W1 = jax.random.normal(ks[2], (D_IN, D_G1), dtype=jnp.float32) * 0.05
    b1 = jnp.zeros((D_G1,), dtype=jnp.float32)
    W2 = jax.random.normal(ks[3], (D_G1, D_G2), dtype=jnp.float32) * 0.05
    b2 = jnp.zeros((D_G2,), dtype=jnp.float32)
    Wf1 = jax.random.normal(ks[4], (D_G2, D_F1), dtype=jnp.float32) * 0.05
    bf1 = jnp.zeros((D_F1,), dtype=jnp.float32)
    Wf2 = jax.random.normal(ks[5], (D_F1, D_F2), dtype=jnp.float32) * 0.05
    bf2 = jnp.zeros((D_F2,), dtype=jnp.float32)
    Wl = jax.random.normal(ks[6], (D_G2 * D_F2, N_LABELS), dtype=jnp.float32) * 0.05
    bl = jnp.zeros((N_LABELS,), dtype=jnp.float32)
    return {"features": features, "edges": edges, "W1": W1, "b1": b1, "W2": W2, "b2": b2,
            "Wf1": Wf1, "bf1": bf1, "Wf2": Wf2, "bf2": bf2, "Wl": Wl, "bl": bl}

def reference(features, edges, W1, b1, W2, b2, Wf1, bf1, Wf2, bf2, Wl, bl):
    n = features.shape[0]
    loop = jnp.arange(n, dtype=edges.dtype)
    src = jnp.concatenate([edges[0], loop])
    dst = jnp.concatenate([edges[1], loop])
    ones = jnp.ones(src.shape[0], dtype=features.dtype)
    deg = jax.ops.segment_sum(ones, dst, num_segments=n)
    dis = jnp.where(deg > 0, 1.0 / jnp.sqrt(jnp.maximum(deg, 1e-12)), 0.0)
    norm = dis[src] * dis[dst]

    def gcn_conv(x, W, b):
        h = x @ W
        msg = h[src] * norm[:, None]
        return jax.ops.segment_sum(msg, dst, num_segments=n) + b

    h1 = jax.nn.relu(gcn_conv(features, W1, b1))
    h2 = gcn_conv(h1, W2, b2)
    a1 = jnp.tanh(h2 @ Wf1 + bf1)
    attention = jax.nn.softmax(a1 @ Wf2 + bf2, axis=0)
    graph_embedding = (attention.T @ h2).reshape(1, -1)
    p = attention.T @ attention - jnp.eye(attention.shape[1], dtype=attention.dtype)
    penalty = jnp.sum(jnp.sqrt(jnp.sum(p * p, axis=1)))
    predictions = jax.nn.log_softmax(graph_embedding @ Wl + bl, axis=1)
    return (graph_embedding, penalty, predictions)

if __name__ == "__main__":
    import jax
    _d = setup_inputs()
    print(jax.jit(kernel)(*tuple(_d.values())))

</pallas_src>

<mosaic_0001>
#map = affine_map<(d0, d1) -> (0, 0)>
#map1 = affine_map<(d0, d1) -> (0, 0, 0)>
module attributes {stable_mosaic.version = 14 : i64} {
  func.func @_deg_kernel(%arg0: i32, %arg1: i32, %arg2: memref<128x1xf32, #tpu.memory_space<hbm>>, %arg3: memref<640x1xf32, #tpu.memory_space<hbm>>, %arg4: memref<32x79x128xi32, #tpu.memory_space<hbm>>, %arg5: memref<2x10240x1xf32, #tpu.memory_space<hbm>>, %arg6: memref<79x128xi32, #tpu.memory_space<vmem>>, %arg7: memref<128x1xf32, #tpu.memory_space<vmem>>, %arg8: memref<640x1xf32, #tpu.memory_space<vmem>>, %arg9: memref<10240x1xf32, #tpu.memory_space<vmem_shared>>) attributes {dimension_semantics = [#tpu.dimension_semantics<core_parallel>, #tpu.dimension_semantics<subcore_parallel>], iteration_bounds = array<i64: 2, 16>, scalar_prefetch = 0 : i64, scratch_operands = 4 : i64, tpu.core_type = #tpu.core_type<sc_vector_subcore>, window_params = [{transform_indices = #map}, {transform_indices = #map}, {transform_indices = #map1}, {transform_indices = #map1}]} {
    %mul3A = arith.constant 16 : i32
    %mul3A_0 = arith.muli %arg0, %mul3A : i32
    %add3A = arith.addi %mul3A_0, %arg1 : i32
    %mul3A_1 = arith.constant 640 : i32
    %mul3A_2 = arith.muli %arg1, %mul3A_1 : i32
    "tpu.region"() ({
      %run_scoped3A = tpu.sem_alloc : memref<!tpu.dma_semaphore, #tpu.memory_space<semaphore_mem>>
      %dma_start3A = arith.constant 0 : i32
      %dma_start3A_8 = arith.constant 0 : i32
      %dma_start3A_9 = tpu.memref_slice %arg4[%add3A, %dma_start3A, %dma_start3A_8] : memref<32x79x128xi32, #tpu.memory_space<hbm>> -> memref<1x79x128xi32, #tpu.memory_space<hbm>>
      %dma_start3A_10 = tpu.memref_squeeze %dma_start3A_9 : memref<1x79x128xi32, #tpu.memory_space<hbm>> -> memref<79x128xi32, #tpu.memory_space<hbm>>
      %dma_start3A_11 = arith.constant 0 : i32
      %dma_start3A_12 = arith.constant 0 : i32
      %dma_start3A_13 = tpu.memref_slice %arg4[%add3A, %dma_start3A_11, %dma_start3A_12] : memref<32x79x128xi32, #tpu.memory_space<hbm>> -> memref<1x79x128xi32, #tpu.memory_space<hbm>>
      %dma_start3A_14 = tpu.memref_squeeze %dma_start3A_13 : memref<1x79x128xi32, #tpu.memory_space<hbm>> -> memref<79x128xi32, #tpu.memory_space<hbm>>
      tpu.enqueue_dma source(%dma_start3A_14 : memref<79x128xi32, #tpu.memory_space<hbm>>) target(%arg6 : memref<79x128xi32, #tpu.memory_space<vmem>>) target_semaphore(%run_scoped3A : memref<!tpu.dma_semaphore, #tpu.memory_space<semaphore_mem>>)
      %dma_wait3A = arith.constant 0 : i32
      %dma_wait3A_15 = arith.constant 0 : i32
      %dma_wait3A_16 = tpu.memref_slice %arg4[%add3A, %dma_wait3A, %dma_wait3A_15] : memref<32x79x128xi32, #tpu.memory_space<hbm>> -> memref<1x79x128xi32, #tpu.memory_space<hbm>>
      %dma_wait3A_17 = tpu.memref_squeeze %dma_wait3A_16 : memref<1x79x128xi32, #tpu.memory_space<hbm>> -> memref<79x128xi32, #tpu.memory_space<hbm>>
      %dma_wait3A_18 = arith.constant 0 : i32
      %dma_wait3A_19 = arith.constant 0 : i32
      %dma_wait3A_20 = tpu.memref_slice %arg4[%add3A, %dma_wait3A_18, %dma_wait3A_19] : memref<32x79x128xi32, #tpu.memory_space<hbm>> -> memref<1x79x128xi32, #tpu.memory_space<hbm>>
      %dma_wait3A_21 = tpu.memref_squeeze %dma_wait3A_20 : memref<1x79x128xi32, #tpu.memory_space<hbm>> -> memref<79x128xi32, #tpu.memory_space<hbm>>
      tpu.wait_dma2 semaphore(%run_scoped3A : memref<!tpu.dma_semaphore, #tpu.memory_space<semaphore_mem>>) src(%dma_wait3A_21 : memref<79x128xi32, #tpu.memory_space<hbm>>) dst(%arg6 : memref<79x128xi32, #tpu.memory_space<vmem>>)
      tpu.yield
    }) : () -> ()
    "tpu.region"() ({
      %run_scoped3A = tpu.sem_alloc : memref<!tpu.dma_semaphore, #tpu.memory_space<semaphore_mem>>
      tpu.enqueue_dma source(%arg2 : memref<128x1xf32, #tpu.memory_space<hbm>>) target(%arg7 : memref<128x1xf32, #tpu.memory_space<vmem>>) target_semaphore(%run_scoped3A : memref<!tpu.dma_semaphore, #tpu.memory_space<semaphore_mem>>)
      tpu.wait_dma2 semaphore(%run_scoped3A : memref<!tpu.dma_semaphore, #tpu.memory_space<semaphore_mem>>) src(%arg2 : memref<128x1xf32, #tpu.memory_space<hbm>>) dst(%arg7 : memref<128x1xf32, #tpu.memory_space<vmem>>)
      tpu.yield
    }) : () -> ()
    "tpu.region"() ({
      %run_scoped3A = tpu.sem_alloc : memref<!tpu.dma_semaphore, #tpu.memory_space<semaphore_mem>>
      tpu.enqueue_dma source(%arg3 : memref<640x1xf32, #tpu.memory_space<hbm>>) target(%arg8 : memref<640x1xf32, #tpu.memory_space<vmem>>) target_semaphore(%run_scoped3A : memref<!tpu.dma_semaphore, #tpu.memory_space<semaphore_mem>>)
      tpu.wait_dma2 semaphore(%run_scoped3A : memref<!tpu.dma_semaphore, #tpu.memory_space<semaphore_mem>>) src(%arg3 : memref<640x1xf32, #tpu.memory_space<hbm>>) dst(%arg8 : memref<640x1xf32, #tpu.memory_space<vmem>>)
      tpu.yield
    }) : () -> ()
    "tpu.region"() ({
      %run_scoped3A = tpu.sem_alloc : memref<!tpu.dma_semaphore, #tpu.memory_space<semaphore_mem>>
      %dma_start3A = arith.constant 0 : i32
      %dma_start3A_8 = tpu.memref_slice %arg9[%mul3A_2, %dma_start3A] : memref<10240x1xf32, #tpu.memory_space<vmem_shared>> -> memref<640x1xf32, #tpu.memory_space<vmem_shared>>
      %dma_start3A_9 = arith.constant 0 : i32
      %dma_start3A_10 = tpu.memref_slice %arg9[%mul3A_2, %dma_start3A_9] : memref<10240x1xf32, #tpu.memory_space<vmem_shared>> -> memref<640x1xf32, #tpu.memory_space<vmem_shared>>
      tpu.enqueue_dma source(%arg8 : memref<640x1xf32, #tpu.memory_space<vmem>>) target(%dma_start3A_10 : memref<640x1xf32, #tpu.memory_space<vmem_shared>>) target_semaphore(%run_scoped3A : memref<!tpu.dma_semaphore, #tpu.memory_space<semaphore_mem>>)
      %dma_wait3A = arith.constant 0 : i32
      %dma_wait3A_11 = tpu.memref_slice %arg9[%mul3A_2, %dma_wait3A] : memref<10240x1xf32, #tpu.memory_space<vmem_shared>> -> memref<640x1xf32, #tpu.memory_space<vmem_shared>>
      %dma_wait3A_12 = arith.constant 0 : i32
      %dma_wait3A_13 = tpu.memref_slice %arg9[%mul3A_2, %dma_wait3A_12] : memref<10240x1xf32, #tpu.memory_space<vmem_shared>> -> memref<640x1xf32, #tpu.memory_space<vmem_shared>>
      tpu.wait_dma2 semaphore(%run_scoped3A : memref<!tpu.dma_semaphore, #tpu.memory_space<semaphore_mem>>) src(%arg8 : memref<640x1xf32, #tpu.memory_space<vmem>>) dst(%dma_wait3A_13 : memref<640x1xf32, #tpu.memory_space<vmem_shared>>)
      tpu.yield
    }) : () -> ()
    %barrier3A = arith.constant 0 : index
    tpu.barrier barrier_id(%barrier3A)
    %scan3A = arith.constant 0 : i32
    %scan3A_3 = arith.constant 79 : i32
    %scan3A_4 = arith.addi %scan3A, %scan3A_3 : i32
    %scan3A_5 = arith.constant 1 : i32
    scf.for %scan3A_8 = %scan3A to %scan3A_4 step %scan3A_5  : i32 {
      %mul3A_9 = arith.constant 1 : i32
      %mul3A_10 = arith.muli %scan3A_8, %mul3A_9 : i32
      %add3A_11 = arith.constant 0 : i32
      %add3A_12 = arith.addi %add3A_11, %mul3A_10 : i32
      "tpu.region"() ({
        %run_scoped3A = tpu.sem_alloc : memref<!tpu.dma_semaphore, #tpu.memory_space<semaphore_mem>>
        %dma_start3A = arith.constant 0 : i32
        %dma_start3A_13 = tpu.memref_slice %arg6[%add3A_12, %dma_start3A] : memref<79x128xi32, #tpu.memory_space<vmem>> -> memref<1x128xi32, #tpu.memory_space<vmem>>
        %dma_start3A_14 = tpu.memref_squeeze %dma_start3A_13 : memref<1x128xi32, #tpu.memory_space<vmem>> -> memref<128xi32, #tpu.memory_space<vmem>>
        %dma_start3A_15 = arith.constant 0 : i32
        %dma_start3A_16 = arith.constant 0 : i32
        %dma_start3A_17 = tpu.memref_slice %arg9[%dma_start3A_15, %dma_start3A_16] : memref<10240x1xf32, #tpu.memory_space<vmem_shared>> -> memref<10240x1xf32, #tpu.memory_space<vmem_shared>>
        tpu.enqueue_indirect_dma source(%arg7 : memref<128x1xf32, #tpu.memory_space<vmem>>) target(%dma_start3A_17 : memref<10240x1xf32, #tpu.memory_space<vmem_shared>>) offsets(%dma_start3A_14 : memref<128xi32, #tpu.memory_space<vmem>>) semaphore(%run_scoped3A : memref<!tpu.dma_semaphore, #tpu.memory_space<semaphore_mem>>) {add = true}
        %dma_wait3A = arith.constant 0 : i32
        %dma_wait3A_18 = tpu.memref_slice %arg6[%add3A_12, %dma_wait3A] : memref<79x128xi32, #tpu.memory_space<vmem>> -> memref<1x128xi32, #tpu.memory_space<vmem>>
        %dma_wait3A_19 = tpu.memref_squeeze %dma_wait3A_18 : memref<1x128xi32, #tpu.memory_space<vmem>> -> memref<128xi32, #tpu.memory_space<vmem>>
        %dma_wait3A_20 = arith.constant 0 : i32
        %dma_wait3A_21 = arith.constant 0 : i32
        %dma_wait3A_22 = tpu.memref_slice %arg9[%dma_wait3A_20, %dma_wait3A_21] : memref<10240x1xf32, #tpu.memory_space<vmem_shared>> -> memref<10240x1xf32, #tpu.memory_space<vmem_shared>>
        tpu.wait_indirect_dma semaphore(%run_scoped3A : memref<!tpu.dma_semaphore, #tpu.memory_space<semaphore_mem>>) src(%arg7 : memref<128x1xf32, #tpu.memory_space<vmem>>) dst(%dma_wait3A_22 : memref<10240x1xf32, #tpu.memory_space<vmem_shared>>)
        tpu.yield
      }) : () -> ()
    }
    %scan3A_6 = arith.constant 79 : i32
    %barrier3A_7 = arith.constant 0 : index
    tpu.barrier barrier_id(%barrier3A_7)
    "tpu.region"() ({
      %run_scoped3A = tpu.sem_alloc : memref<!tpu.dma_semaphore, #tpu.memory_space<semaphore_mem>>
      %dma_start3A = arith.constant 0 : i32
      %dma_start3A_8 = tpu.memref_slice %arg9[%mul3A_2, %dma_start3A] : memref<10240x1xf32, #tpu.memory_space<vmem_shared>> -> memref<640x1xf32, #tpu.memory_space<vmem_shared>>
      %dma_start3A_9 = arith.constant 0 : i32
      %dma_start3A_10 = tpu.memref_slice %arg9[%mul3A_2, %dma_start3A_9] : memref<10240x1xf32, #tpu.memory_space<vmem_shared>> -> memref<640x1xf32, #tpu.memory_space<vmem_shared>>
      tpu.enqueue_dma source(%dma_start3A_10 : memref<640x1xf32, #tpu.memory_space<vmem_shared>>) target(%arg8 : memref<640x1xf32, #tpu.memory_space<vmem>>) target_semaphore(%run_scoped3A : memref<!tpu.dma_semaphore, #tpu.memory_space<semaphore_mem>>)
      %dma_wait3A = arith.constant 0 : i32
      %dma_wait3A_11 = tpu.memref_slice %arg9[%mul3A_2, %dma_wait3A] : memref<10240x1xf32, #tpu.memory_space<vmem_shared>> -> memref<640x1xf32, #tpu.memory_space<vmem_shared>>
      %dma_wait3A_12 = arith.constant 0 : i32
      %dma_wait3A_13 = tpu.memref_slice %arg9[%mul3A_2, %dma_wait3A_12] : memref<10240x1xf32, #tpu.memory_space<vmem_shared>> -> memref<640x1xf32, #tpu.memory_space<vmem_shared>>
      tpu.wait_dma2 semaphore(%run_scoped3A : memref<!tpu.dma_semaphore, #tpu.memory_space<semaphore_mem>>) src(%dma_wait3A_13 : memref<640x1xf32, #tpu.memory_space<vmem_shared>>) dst(%arg8 : memref<640x1xf32, #tpu.memory_space<vmem>>)
      tpu.yield
    }) : () -> ()
    "tpu.region"() ({
      %run_scoped3A = tpu.sem_alloc : memref<!tpu.dma_semaphore, #tpu.memory_space<semaphore_mem>>
      %dma_start3A = arith.constant 0 : i32
      %dma_start3A_8 = tpu.memref_slice %arg5[%arg0, %mul3A_2, %dma_start3A] : memref<2x10240x1xf32, #tpu.memory_space<hbm>> -> memref<1x640x1xf32, #tpu.memory_space<hbm>>
      %dma_start3A_9 = tpu.memref_squeeze %dma_start3A_8 : memref<1x640x1xf32, #tpu.memory_space<hbm>> -> memref<640x1xf32, #tpu.memory_space<hbm>>
      %dma_start3A_10 = arith.constant 0 : i32
      %dma_start3A_11 = tpu.memref_slice %arg5[%arg0, %mul3A_2, %dma_start3A_10] : memref<2x10240x1xf32, #tpu.memory_space<hbm>> -> memref<1x640x1xf32, #tpu.memory_space<hbm>>
      %dma_start3A_12 = tpu.memref_squeeze %dma_start3A_11 : memref<1x640x1xf32, #tpu.memory_space<hbm>> -> memref<640x1xf32, #tpu.memory_space<hbm>>
      tpu.enqueue_dma source(%arg8 : memref<640x1xf32, #tpu.memory_space<vmem>>) target(%dma_start3A_12 : memref<640x1xf32, #tpu.memory_space<hbm>>) target_semaphore(%run_scoped3A : memref<!tpu.dma_semaphore, #tpu.memory_space<semaphore_mem>>)
      %dma_wait3A = arith.constant 0 : i32
      %dma_wait3A_13 = tpu.memref_slice %arg5[%arg0, %mul3A_2, %dma_wait3A] : memref<2x10240x1xf32, #tpu.memory_space<hbm>> -> memref<1x640x1xf32, #tpu.memory_space<hbm>>
      %dma_wait3A_14 = tpu.memref_squeeze %dma_wait3A_13 : memref<1x640x1xf32, #tpu.memory_space<hbm>> -> memref<640x1xf32, #tpu.memory_space<hbm>>
      %dma_wait3A_15 = arith.constant 0 : i32
      %dma_wait3A_16 = tpu.memref_slice %arg5[%arg0, %mul3A_2, %dma_wait3A_15] : memref<2x10240x1xf32, #tpu.memory_space<hbm>> -> memref<1x640x1xf32, #tpu.memory_space<hbm>>
      %dma_wait3A_17 = tpu.memref_squeeze %dma_wait3A_16 : memref<1x640x1xf32, #tpu.memory_space<hbm>> -> memref<640x1xf32, #tpu.memory_space<hbm>>
      tpu.wait_dma2 semaphore(%run_scoped3A : memref<!tpu.dma_semaphore, #tpu.memory_space<semaphore_mem>>) src(%arg8 : memref<640x1xf32, #tpu.memory_space<vmem>>) dst(%dma_wait3A_17 : memref<640x1xf32, #tpu.memory_space<hbm>>)
      tpu.yield
    }) : () -> ()
    return
  }
}

#map = affine_map<(d0, d1) -> (0, 0)>
#map1 = affine_map<(d0, d1) -> (0, 0, 0)>
module attributes {stable_mosaic.version = 14 : i64} {
  func.func @prop(%arg0: i32, %arg1: i32, %arg2: memref<10240x32xf32, #tpu.memory_space<hbm>>, %arg3: memref<32x79x128xi32, #tpu.memory_space<hbm>>, %arg4: memref<32x79x128xi32, #tpu.memory_space<hbm>>, %arg5: memref<2x10240x32xf32, #tpu.memory_space<hbm>>, %arg6: memref<79x128xi32, #tpu.memory_space<vmem>>, %arg7: memref<79x128xi32, #tpu.memory_space<vmem>>, %arg8: memref<128x32xf32, #tpu.memory_space<vmem>>, %arg9: memref<640x32xf32, #tpu.memory_space<vmem>>, %arg10: memref<10240x32xf32, #tpu.memory_space<vmem_shared>>, %arg11: memref<!tpu.dma_semaphore, #tpu.memory_space<semaphore_mem>>) attributes {dimension_semantics = [#tpu.dimension_semantics<core_parallel>, #tpu.dimension_semantics<subcore_parallel>], iteration_bounds = array<i64: 2, 16>, scalar_prefetch = 0 : i64, scratch_operands = 6 : i64, tpu.core_type = #tpu.core_type<sc_vector_subcore>, window_params = [{transform_indices = #map}, {transform_indices = #map1}, {transform_indices = #map1}, {transform_indices = #map1}]} {
    %mul3A = arith.constant 16 : i32
    %mul3A_0 = arith.muli %arg0, %mul3A : i32
    %add3A = arith.addi %mul3A_0, %arg1 : i32
    %mul3A_1 = arith.constant 640 : i32
    %mul3A_2 = arith.muli %arg1, %mul3A_1 : i32
    "tpu.region"() ({
      %run_scoped3A = tpu.sem_alloc : memref<!tpu.dma_semaphore, #tpu.memory_space<semaphore_mem>>
      %dma_start3A = arith.constant 0 : i32
      %dma_start3A_8 = arith.constant 0 : i32
      %dma_start3A_9 = tpu.memref_slice %arg3[%add3A, %dma_start3A, %dma_start3A_8] : memref<32x79x128xi32, #tpu.memory_space<hbm>> -> memref<1x79x128xi32, #tpu.memory_space<hbm>>
      %dma_start3A_10 = tpu.memref_squeeze %dma_start3A_9 : memref<1x79x128xi32, #tpu.memory_space<hbm>> -> memref<79x128xi32, #tpu.memory_space<hbm>>
      %dma_start3A_11 = arith.constant 0 : i32
      %dma_start3A_12 = arith.constant 0 : i32
      %dma_start3A_13 = tpu.memref_slice %arg3[%add3A, %dma_start3A_11, %dma_start3A_12] : memref<32x79x128xi32, #tpu.memory_space<hbm>> -> memref<1x79x128xi32, #tpu.memory_space<hbm>>
      %dma_start3A_14 = tpu.memref_squeeze %dma_start3A_13 : memref<1x79x128xi32, #tpu.memory_space<hbm>> -> memref<79x128xi32, #tpu.memory_space<hbm>>
      tpu.enqueue_dma source(%dma_start3A_14 : memref<79x128xi32, #tpu.memory_space<hbm>>) target(%arg6 : memref<79x128xi32, #tpu.memory_space<vmem>>) target_semaphore(%run_scoped3A : memref<!tpu.dma_semaphore, #tpu.memory_space<semaphore_mem>>)
      %dma_wait3A = arith.constant 0 : i32
      %dma_wait3A_15 = arith.constant 0 : i32
      %dma_wait3A_16 = tpu.memref_slice %arg3[%add3A, %dma_wait3A, %dma_wait3A_15] : memref<32x79x128xi32, #tpu.memory_space<hbm>> -> memref<1x79x128xi32, #tpu.memory_space<hbm>>
      %dma_wait3A_17 = tpu.memref_squeeze %dma_wait3A_16 : memref<1x79x128xi32, #tpu.memory_space<hbm>> -> memref<79x128xi32, #tpu.memory_space<hbm>>
      %dma_wait3A_18 = arith.constant 0 : i32
      %dma_wait3A_19 = arith.constant 0 : i32
      %dma_wait3A_20 = tpu.memref_slice %arg3[%add3A, %dma_wait3A_18, %dma_wait3A_19] : memref<32x79x128xi32, #tpu.memory_space<hbm>> -> memref<1x79x128xi32, #tpu.memory_space<hbm>>
      %dma_wait3A_21 = tpu.memref_squeeze %dma_wait3A_20 : memref<1x79x128xi32, #tpu.memory_space<hbm>> -> memref<79x128xi32, #tpu.memory_space<hbm>>
      tpu.wait_dma2 semaphore(%run_scoped3A : memref<!tpu.dma_semaphore, #tpu.memory_space<semaphore_mem>>) src(%dma_wait3A_21 : memref<79x128xi32, #tpu.memory_space<hbm>>) dst(%arg6 : memref<79x128xi32, #tpu.memory_space<vmem>>)
      tpu.yield
    }) : () -> ()
    "tpu.region"() ({
      %run_scoped3A = tpu.sem_alloc : memref<!tpu.dma_semaphore, #tpu.memory_space<semaphore_mem>>
      %dma_start3A = arith.constant 0 : i32
      %dma_start3A_8 = arith.constant 0 : i32
      %dma_start3A_9 = tpu.memref_slice %arg4[%add3A, %dma_start3A, %dma_start3A_8] : memref<32x79x128xi32, #tpu.memory_space<hbm>> -> memref<1x79x128xi32, #tpu.memory_space<hbm>>
      %dma_start3A_10 = tpu.memref_squeeze %dma_start3A_9 : memref<1x79x128xi32, #tpu.memory_space<hbm>> -> memref<79x128xi32, #tpu.memory_space<hbm>>
      %dma_start3A_11 = arith.constant 0 : i32
      %dma_start3A_12 = arith.constant 0 : i32
      %dma_start3A_13 = tpu.memref_slice %arg4[%add3A, %dma_start3A_11, %dma_start3A_12] : memref<32x79x128xi32, #tpu.memory_space<hbm>> -> memref<1x79x128xi32, #tpu.memory_space<hbm>>
      %dma_start3A_14 = tpu.memref_squeeze %dma_start3A_13 : memref<1x79x128xi32, #tpu.memory_space<hbm>> -> memref<79x128xi32, #tpu.memory_space<hbm>>
      tpu.enqueue_dma source(%dma_start3A_14 : memref<79x128xi32, #tpu.memory_space<hbm>>) target(%arg7 : memref<79x128xi32, #tpu.memory_space<vmem>>) target_semaphore(%run_scoped3A : memref<!tpu.dma_semaphore, #tpu.memory_space<semaphore_mem>>)
      %dma_wait3A = arith.constant 0 : i32
      %dma_wait3A_15 = arith.constant 0 : i32
      %dma_wait3A_16 = tpu.memref_slice %arg4[%add3A, %dma_wait3A, %dma_wait3A_15] : memref<32x79x128xi32, #tpu.memory_space<hbm>> -> memref<1x79x128xi32, #tpu.memory_space<hbm>>
      %dma_wait3A_17 = tpu.memref_squeeze %dma_wait3A_16 : memref<1x79x128xi32, #tpu.memory_space<hbm>> -> memref<79x128xi32, #tpu.memory_space<hbm>>
      %dma_wait3A_18 = arith.constant 0 : i32
      %dma_wait3A_19 = arith.constant 0 : i32
      %dma_wait3A_20 = tpu.memref_slice %arg4[%add3A, %dma_wait3A_18, %dma_wait3A_19] : memref<32x79x128xi32, #tpu.memory_space<hbm>> -> memref<1x79x128xi32, #tpu.memory_space<hbm>>
      %dma_wait3A_21 = tpu.memref_squeeze %dma_wait3A_20 : memref<1x79x128xi32, #tpu.memory_space<hbm>> -> memref<79x128xi32, #tpu.memory_space<hbm>>
      tpu.wait_dma2 semaphore(%run_scoped3A : memref<!tpu.dma_semaphore, #tpu.memory_space<semaphore_mem>>) src(%dma_wait3A_21 : memref<79x128xi32, #tpu.memory_space<hbm>>) dst(%arg7 : memref<79x128xi32, #tpu.memory_space<vmem>>)
      tpu.yield
    }) : () -> ()
    "tpu.region"() ({
      %run_scoped3A = tpu.sem_alloc : memref<!tpu.dma_semaphore, #tpu.memory_space<semaphore_mem>>
      %dma_start3A = arith.constant 0 : i32
      %dma_start3A_8 = tpu.memref_slice %arg2[%mul3A_2, %dma_start3A] : memref<10240x32xf32, #tpu.memory_space<hbm>> -> memref<640x32xf32, #tpu.memory_space<hbm>>
      %dma_start3A_9 = arith.constant 0 : i32
      %dma_start3A_10 = tpu.memref_slice %arg2[%mul3A_2, %dma_start3A_9] : memref<10240x32xf32, #tpu.memory_space<hbm>> -> memref<640x32xf32, #tpu.memory_space<hbm>>
      tpu.enqueue_dma source(%dma_start3A_10 : memref<640x32xf32, #tpu.memory_space<hbm>>) target(%arg9 : memref<640x32xf32, #tpu.memory_space<vmem>>) target_semaphore(%run_scoped3A : memref<!tpu.dma_semaphore, #tpu.memory_space<semaphore_mem>>)
      %dma_wait3A = arith.constant 0 : i32
      %dma_wait3A_11 = tpu.memref_slice %arg2[%mul3A_2, %dma_wait3A] : memref<10240x32xf32, #tpu.memory_space<hbm>> -> memref<640x32xf32, #tpu.memory_space<hbm>>
      %dma_wait3A_12 = arith.constant 0 : i32
      %dma_wait3A_13 = tpu.memref_slice %arg2[%mul3A_2, %dma_wait3A_12] : memref<10240x32xf32, #tpu.memory_space<hbm>> -> memref<640x32xf32, #tpu.memory_space<hbm>>
      tpu.wait_dma2 semaphore(%run_scoped3A : memref<!tpu.dma_semaphore, #tpu.memory_space<semaphore_mem>>) src(%dma_wait3A_13 : memref<640x32xf32, #tpu.memory_space<hbm>>) dst(%arg9 : memref<640x32xf32, #tpu.memory_space<vmem>>)
      tpu.yield
    }) : () -> ()
    "tpu.region"() ({
      %run_scoped3A = tpu.sem_alloc : memref<!tpu.dma_semaphore, #tpu.memory_space<semaphore_mem>>
      %dma_start3A = arith.constant 0 : i32
      %dma_start3A_8 = tpu.memref_slice %arg10[%mul3A_2, %dma_start3A] : memref<10240x32xf32, #tpu.memory_space<vmem_shared>> -> memref<640x32xf32, #tpu.memory_space<vmem_shared>>
      %dma_start3A_9 = arith.constant 0 : i32
      %dma_start3A_10 = tpu.memref_slice %arg10[%mul3A_2, %dma_start3A_9] : memref<10240x32xf32, #tpu.memory_space<vmem_shared>> -> memref<640x32xf32, #tpu.memory_space<vmem_shared>>
      tpu.enqueue_dma source(%arg9 : memref<640x32xf32, #tpu.memory_space<vmem>>) target(%dma_start3A_10 : memref<640x32xf32, #tpu.memory_space<vmem_shared>>) target_semaphore(%run_scoped3A : memref<!tpu.dma_semaphore, #tpu.memory_space<semaphore_mem>>)
      %dma_wait3A = arith.constant 0 : i32
      %dma_wait3A_11 = tpu.memref_slice %arg10[%mul3A_2, %dma_wait3A] : memref<10240x32xf32, #tpu.memory_space<vmem_shared>> -> memref<640x32xf32, #tpu.memory_space<vmem_shared>>
      %dma_wait3A_12 = arith.constant 0 : i32
      %dma_wait3A_13 = tpu.memref_slice %arg10[%mul3A_2, %dma_wait3A_12] : memref<10240x32xf32, #tpu.memory_space<vmem_shared>> -> memref<640x32xf32, #tpu.memory_space<vmem_shared>>
      tpu.wait_dma2 semaphore(%run_scoped3A : memref<!tpu.dma_semaphore, #tpu.memory_space<semaphore_mem>>) src(%arg9 : memref<640x32xf32, #tpu.memory_space<vmem>>) dst(%dma_wait3A_13 : memref<640x32xf32, #tpu.memory_space<vmem_shared>>)
      tpu.yield
    }) : () -> ()
    %barrier3A = arith.constant 0 : index
    tpu.barrier barrier_id(%barrier3A)
    %scan3A = arith.constant 0 : i32
    %scan3A_3 = arith.constant 79 : i32
    %scan3A_4 = arith.addi %scan3A, %scan3A_3 : i32
    %scan3A_5 = arith.constant 1 : i32
    scf.for %scan3A_8 = %scan3A to %scan3A_4 step %scan3A_5  : i32 {
      %mul3A_9 = arith.constant 1 : i32
      %mul3A_10 = arith.muli %scan3A_8, %mul3A_9 : i32
      %add3A_11 = arith.constant 0 : i32
      %add3A_12 = arith.addi %add3A_11, %mul3A_10 : i32
      %dma_start3A = arith.constant 0 : i32
      %dma_start3A_13 = tpu.memref_slice %arg6[%add3A_12, %dma_start3A] : memref<79x128xi32, #tpu.memory_space<vmem>> -> memref<1x128xi32, #tpu.memory_space<vmem>>
      %dma_start3A_14 = tpu.memref_squeeze %dma_start3A_13 : memref<1x128xi32, #tpu.memory_space<vmem>> -> memref<128xi32, #tpu.memory_space<vmem>>
      %dma_start3A_15 = arith.constant 0 : i32
      %dma_start3A_16 = arith.constant 0 : i32
      %dma_start3A_17 = tpu.memref_slice %arg2[%dma_start3A_15, %dma_start3A_16] : memref<10240x32xf32, #tpu.memory_space<hbm>> -> memref<10240x32xf32, #tpu.memory_space<hbm>>
      tpu.enqueue_indirect_dma source(%dma_start3A_17 : memref<10240x32xf32, #tpu.memory_space<hbm>>) target(%arg8 : memref<128x32xf32, #tpu.memory_space<vmem>>) offsets(%dma_start3A_14 : memref<128xi32, #tpu.memory_space<vmem>>) semaphore(%arg11 : memref<!tpu.dma_semaphore, #tpu.memory_space<semaphore_mem>>)
      %dma_wait3A = arith.constant 0 : i32
      %dma_wait3A_18 = tpu.memref_slice %arg6[%add3A_12, %dma_wait3A] : memref<79x128xi32, #tpu.memory_space<vmem>> -> memref<1x128xi32, #tpu.memory_space<vmem>>
      %dma_wait3A_19 = tpu.memref_squeeze %dma_wait3A_18 : memref<1x128xi32, #tpu.memory_space<vmem>> -> memref<128xi32, #tpu.memory_space<vmem>>
      %dma_wait3A_20 = arith.constant 0 : i32
      %dma_wait3A_21 = arith.constant 0 : i32
      %dma_wait3A_22 = tpu.memref_slice %arg2[%dma_wait3A_20, %dma_wait3A_21] : memref<10240x32xf32, #tpu.memory_space<hbm>> -> memref<10240x32xf32, #tpu.memory_space<hbm>>
      tpu.wait_indirect_dma semaphore(%arg11 : memref<!tpu.dma_semaphore, #tpu.memory_space<semaphore_mem>>) src(%dma_wait3A_22 : memref<10240x32xf32, #tpu.memory_space<hbm>>) dst(%arg8 : memref<128x32xf32, #tpu.memory_space<vmem>>)
      "tpu.region"() ({
        %run_scoped3A = tpu.sem_alloc : memref<!tpu.dma_semaphore, #tpu.memory_space<semaphore_mem>>
        %dma_start3A_23 = arith.constant 0 : i32
        %dma_start3A_24 = tpu.memref_slice %arg7[%add3A_12, %dma_start3A_23] : memref<79x128xi32, #tpu.memory_space<vmem>> -> memref<1x128xi32, #tpu.memory_space<vmem>>
        %dma_start3A_25 = tpu.memref_squeeze %dma_start3A_24 : memref<1x128xi32, #tpu.memory_space<vmem>> -> memref<128xi32, #tpu.memory_space<vmem>>
        %dma_start3A_26 = arith.constant 0 : i32
        %dma_start3A_27 = arith.constant 0 : i32
        %dma_start3A_28 = tpu.memref_slice %arg10[%dma_start3A_26, %dma_start3A_27] : memref<10240x32xf32, #tpu.memory_space<vmem_shared>> -> memref<10240x32xf32, #tpu.memory_space<vmem_shared>>
        tpu.enqueue_indirect_dma source(%arg8 : memref<128x32xf32, #tpu.memory_space<vmem>>) target(%dma_start3A_28 : memref<10240x32xf32, #tpu.memory_space<vmem_shared>>) offsets(%dma_start3A_25 : memref<128xi32, #tpu.memory_space<vmem>>) semaphore(%run_scoped3A : memref<!tpu.dma_semaphore, #tpu.memory_space<semaphore_mem>>) {add = true}
        %dma_wait3A_29 = arith.constant 0 : i32
        %dma_wait3A_30 = tpu.memref_slice %arg7[%add3A_12, %dma_wait3A_29] : memref<79x128xi32, #tpu.memory_space<vmem>> -> memref<1x128xi32, #tpu.memory_space<vmem>>
        %dma_wait3A_31 = tpu.memref_squeeze %dma_wait3A_30 : memref<1x128xi32, #tpu.memory_space<vmem>> -> memref<128xi32, #tpu.memory_space<vmem>>
        %dma_wait3A_32 = arith.constant 0 : i32
        %dma_wait3A_33 = arith.constant 0 : i32
        %dma_wait3A_34 = tpu.memref_slice %arg10[%dma_wait3A_32, %dma_wait3A_33] : memref<10240x32xf32, #tpu.memory_space<vmem_shared>> -> memref<10240x32xf32, #tpu.memory_space<vmem_shared>>
        tpu.wait_indirect_dma semaphore(%run_scoped3A : memref<!tpu.dma_semaphore, #tpu.memory_space<semaphore_mem>>) src(%arg8 : memref<128x32xf32, #tpu.memory_space<vmem>>) dst(%dma_wait3A_34 : memref<10240x32xf32, #tpu.memory_space<vmem_shared>>)
        tpu.yield
      }) : () -> ()
    }
    %scan3A_6 = arith.constant 79 : i32
    %barrier3A_7 = arith.constant 0 : index
    tpu.barrier barrier_id(%barrier3A_7)
    "tpu.region"() ({
      %run_scoped3A = tpu.sem_alloc : memref<!tpu.dma_semaphore, #tpu.memory_space<semaphore_mem>>
      %dma_start3A = arith.constant 0 : i32
      %dma_start3A_8 = tpu.memref_slice %arg10[%mul3A_2, %dma_start3A] : memref<10240x32xf32, #tpu.memory_space<vmem_shared>> -> memref<640x32xf32, #tpu.memory_space<vmem_shared>>
      %dma_start3A_9 = arith.constant 0 : i32
      %dma_start3A_10 = tpu.memref_slice %arg10[%mul3A_2, %dma_start3A_9] : memref<10240x32xf32, #tpu.memory_space<vmem_shared>> -> memref<640x32xf32, #tpu.memory_space<vmem_shared>>
      tpu.enqueue_dma source(%dma_start3A_10 : memref<640x32xf32, #tpu.memory_space<vmem_shared>>) target(%arg9 : memref<640x32xf32, #tpu.memory_space<vmem>>) target_semaphore(%run_scoped3A : memref<!tpu.dma_semaphore, #tpu.memory_space<semaphore_mem>>)
      %dma_wait3A = arith.constant 0 : i32
      %dma_wait3A_11 = tpu.memref_slice %arg10[%mul3A_2, %dma_wait3A] : memref<10240x32xf32, #tpu.memory_space<vmem_shared>> -> memref<640x32xf32, #tpu.memory_space<vmem_shared>>
      %dma_wait3A_12 = arith.constant 0 : i32
      %dma_wait3A_13 = tpu.memref_slice %arg10[%mul3A_2, %dma_wait3A_12] : memref<10240x32xf32, #tpu.memory_space<vmem_shared>> -> memref<640x32xf32, #tpu.memory_space<vmem_shared>>
      tpu.wait_dma2 semaphore(%run_scoped3A : memref<!tpu.dma_semaphore, #tpu.memory_space<semaphore_mem>>) src(%dma_wait3A_13 : memref<640x32xf32, #tpu.memory_space<vmem_shared>>) dst(%arg9 : memref<640x32xf32, #tpu.memory_space<vmem>>)
      tpu.yield
    }) : () -> ()
    "tpu.region"() ({
      %run_scoped3A = tpu.sem_alloc : memref<!tpu.dma_semaphore, #tpu.memory_space<semaphore_mem>>
      %dma_start3A = arith.constant 0 : i32
      %dma_start3A_8 = tpu.memref_slice %arg5[%arg0, %mul3A_2, %dma_start3A] : memref<2x10240x32xf32, #tpu.memory_space<hbm>> -> memref<1x640x32xf32, #tpu.memory_space<hbm>>
      %dma_start3A_9 = tpu.memref_squeeze %dma_start3A_8 : memref<1x640x32xf32, #tpu.memory_space<hbm>> -> memref<640x32xf32, #tpu.memory_space<hbm>>
      %dma_start3A_10 = arith.constant 0 : i32
      %dma_start3A_11 = tpu.memref_slice %arg5[%arg0, %mul3A_2, %dma_start3A_10] : memref<2x10240x32xf32, #tpu.memory_space<hbm>> -> memref<1x640x32xf32, #tpu.memory_space<hbm>>
      %dma_start3A_12 = tpu.memref_squeeze %dma_start3A_11 : memref<1x640x32xf32, #tpu.memory_space<hbm>> -> memref<640x32xf32, #tpu.memory_space<hbm>>
      tpu.enqueue_dma source(%arg9 : memref<640x32xf32, #tpu.memory_space<vmem>>) target(%dma_start3A_12 : memref<640x32xf32, #tpu.memory_space<hbm>>) target_semaphore(%run_scoped3A : memref<!tpu.dma_semaphore, #tpu.memory_space<semaphore_mem>>)
      %dma_wait3A = arith.constant 0 : i32
      %dma_wait3A_13 = tpu.memref_slice %arg5[%arg0, %mul3A_2, %dma_wait3A] : memref<2x10240x32xf32, #tpu.memory_space<hbm>> -> memref<1x640x32xf32, #tpu.memory_space<hbm>>
      %dma_wait3A_14 = tpu.memref_squeeze %dma_wait3A_13 : memref<1x640x32xf32, #tpu.memory_space<hbm>> -> memref<640x32xf32, #tpu.memory_space<hbm>>
      %dma_wait3A_15 = arith.constant 0 : i32
      %dma_wait3A_16 = tpu.memref_slice %arg5[%arg0, %mul3A_2, %dma_wait3A_15] : memref<2x10240x32xf32, #tpu.memory_space<hbm>> -> memref<1x640x32xf32, #tpu.memory_space<hbm>>
      %dma_wait3A_17 = tpu.memref_squeeze %dma_wait3A_16 : memref<1x640x32xf32, #tpu.memory_space<hbm>> -> memref<640x32xf32, #tpu.memory_space<hbm>>
      tpu.wait_dma2 semaphore(%run_scoped3A : memref<!tpu.dma_semaphore, #tpu.memory_space<semaphore_mem>>) src(%arg9 : memref<640x32xf32, #tpu.memory_space<vmem>>) dst(%dma_wait3A_17 : memref<640x32xf32, #tpu.memory_space<hbm>>)
      tpu.yield
    }) : () -> ()
    return
  }
}

#map = affine_map<(d0, d1) -> (0, 0)>
#map1 = affine_map<(d0, d1) -> (0, 0, 0)>
module attributes {stable_mosaic.version = 14 : i64} {
  func.func @prop(%arg0: i32, %arg1: i32, %arg2: memref<10240x64xf32, #tpu.memory_space<hbm>>, %arg3: memref<32x79x128xi32, #tpu.memory_space<hbm>>, %arg4: memref<32x79x128xi32, #tpu.memory_space<hbm>>, %arg5: memref<2x10240x64xf32, #tpu.memory_space<hbm>>, %arg6: memref<79x128xi32, #tpu.memory_space<vmem>>, %arg7: memref<79x128xi32, #tpu.memory_space<vmem>>, %arg8: memref<128x64xf32, #tpu.memory_space<vmem>>, %arg9: memref<640x64xf32, #tpu.memory_space<vmem>>, %arg10: memref<10240x64xf32, #tpu.memory_space<vmem_shared>>, %arg11: memref<!tpu.dma_semaphore, #tpu.memory_space<semaphore_mem>>) attributes {dimension_semantics = [#tpu.dimension_semantics<core_parallel>, #tpu.dimension_semantics<subcore_parallel>], iteration_bounds = array<i64: 2, 16>, scalar_prefetch = 0 : i64, scratch_operands = 6 : i64, tpu.core_type = #tpu.core_type<sc_vector_subcore>, window_params = [{transform_indices = #map}, {transform_indices = #map1}, {transform_indices = #map1}, {transform_indices = #map1}]} {
    %mul3A = arith.constant 16 : i32
    %mul3A_0 = arith.muli %arg0, %mul3A : i32
    %add3A = arith.addi %mul3A_0, %arg1 : i32
    %mul3A_1 = arith.constant 640 : i32
    %mul3A_2 = arith.muli %arg1, %mul3A_1 : i32
    "tpu.region"() ({
      %run_scoped3A = tpu.sem_alloc : memref<!tpu.dma_semaphore, #tpu.memory_space<semaphore_mem>>
      %dma_start3A = arith.constant 0 : i32
      %dma_start3A_8 = arith.constant 0 : i32
      %dma_start3A_9 = tpu.memref_slice %arg3[%add3A, %dma_start3A, %dma_start3A_8] : memref<32x79x128xi32, #tpu.memory_space<hbm>> -> memref<1x79x128xi32, #tpu.memory_space<hbm>>
      %dma_start3A_10 = tpu.memref_squeeze %dma_start3A_9 : memref<1x79x128xi32, #tpu.memory_space<hbm>> -> memref<79x128xi32, #tpu.memory_space<hbm>>
      %dma_start3A_11 = arith.constant 0 : i32
      %dma_start3A_12 = arith.constant 0 : i32
      %dma_start3A_13 = tpu.memref_slice %arg3[%add3A, %dma_start3A_11, %dma_start3A_12] : memref<32x79x128xi32, #tpu.memory_space<hbm>> -> memref<1x79x128xi32, #tpu.memory_space<hbm>>
      %dma_start3A_14 = tpu.memref_squeeze %dma_start3A_13 : memref<1x79x128xi32, #tpu.memory_space<hbm>> -> memref<79x128xi32, #tpu.memory_space<hbm>>
      tpu.enqueue_dma source(%dma_start3A_14 : memref<79x128xi32, #tpu.memory_space<hbm>>) target(%arg6 : memref<79x128xi32, #tpu.memory_space<vmem>>) target_semaphore(%run_scoped3A : memref<!tpu.dma_semaphore, #tpu.memory_space<semaphore_mem>>)
      %dma_wait3A = arith.constant 0 : i32
      %dma_wait3A_15 = arith.constant 0 : i32
      %dma_wait3A_16 = tpu.memref_slice %arg3[%add3A, %dma_wait3A, %dma_wait3A_15] : memref<32x79x128xi32, #tpu.memory_space<hbm>> -> memref<1x79x128xi32, #tpu.memory_space<hbm>>
      %dma_wait3A_17 = tpu.memref_squeeze %dma_wait3A_16 : memref<1x79x128xi32, #tpu.memory_space<hbm>> -> memref<79x128xi32, #tpu.memory_space<hbm>>
      %dma_wait3A_18 = arith.constant 0 : i32
      %dma_wait3A_19 = arith.constant 0 : i32
      %dma_wait3A_20 = tpu.memref_slice %arg3[%add3A, %dma_wait3A_18, %dma_wait3A_19] : memref<32x79x128xi32, #tpu.memory_space<hbm>> -> memref<1x79x128xi32, #tpu.memory_space<hbm>>
      %dma_wait3A_21 = tpu.memref_squeeze %dma_wait3A_20 : memref<1x79x128xi32, #tpu.memory_space<hbm>> -> memref<79x128xi32, #tpu.memory_space<hbm>>
      tpu.wait_dma2 semaphore(%run_scoped3A : memref<!tpu.dma_semaphore, #tpu.memory_space<semaphore_mem>>) src(%dma_wait3A_21 : memref<79x128xi32, #tpu.memory_space<hbm>>) dst(%arg6 : memref<79x128xi32, #tpu.memory_space<vmem>>)
      tpu.yield
    }) : () -> ()
    "tpu.region"() ({
      %run_scoped3A = tpu.sem_alloc : memref<!tpu.dma_semaphore, #tpu.memory_space<semaphore_mem>>
      %dma_start3A = arith.constant 0 : i32
      %dma_start3A_8 = arith.constant 0 : i32
      %dma_start3A_9 = tpu.memref_slice %arg4[%add3A, %dma_start3A, %dma_start3A_8] : memref<32x79x128xi32, #tpu.memory_space<hbm>> -> memref<1x79x128xi32, #tpu.memory_space<hbm>>
      %dma_start3A_10 = tpu.memref_squeeze %dma_start3A_9 : memref<1x79x128xi32, #tpu.memory_space<hbm>> -> memref<79x128xi32, #tpu.memory_space<hbm>>
      %dma_start3A_11 = arith.constant 0 : i32
      %dma_start3A_12 = arith.constant 0 : i32
      %dma_start3A_13 = tpu.memref_slice %arg4[%add3A, %dma_start3A_11, %dma_start3A_12] : memref<32x79x128xi32, #tpu.memory_space<hbm>> -> memref<1x79x128xi32, #tpu.memory_space<hbm>>
      %dma_start3A_14 = tpu.memref_squeeze %dma_start3A_13 : memref<1x79x128xi32, #tpu.memory_space<hbm>> -> memref<79x128xi32, #tpu.memory_space<hbm>>
      tpu.enqueue_dma source(%dma_start3A_14 : memref<79x128xi32, #tpu.memory_space<hbm>>) target(%arg7 : memref<79x128xi32, #tpu.memory_space<vmem>>) target_semaphore(%run_scoped3A : memref<!tpu.dma_semaphore, #tpu.memory_space<semaphore_mem>>)
      %dma_wait3A = arith.constant 0 : i32
      %dma_wait3A_15 = arith.constant 0 : i32
      %dma_wait3A_16 = tpu.memref_slice %arg4[%add3A, %dma_wait3A, %dma_wait3A_15] : memref<32x79x128xi32, #tpu.memory_space<hbm>> -> memref<1x79x128xi32, #tpu.memory_space<hbm>>
      %dma_wait3A_17 = tpu.memref_squeeze %dma_wait3A_16 : memref<1x79x128xi32, #tpu.memory_space<hbm>> -> memref<79x128xi32, #tpu.memory_space<hbm>>
      %dma_wait3A_18 = arith.constant 0 : i32
      %dma_wait3A_19 = arith.constant 0 : i32
      %dma_wait3A_20 = tpu.memref_slice %arg4[%add3A, %dma_wait3A_18, %dma_wait3A_19] : memref<32x79x128xi32, #tpu.memory_space<hbm>> -> memref<1x79x128xi32, #tpu.memory_space<hbm>>
      %dma_wait3A_21 = tpu.memref_squeeze %dma_wait3A_20 : memref<1x79x128xi32, #tpu.memory_space<hbm>> -> memref<79x128xi32, #tpu.memory_space<hbm>>
      tpu.wait_dma2 semaphore(%run_scoped3A : memref<!tpu.dma_semaphore, #tpu.memory_space<semaphore_mem>>) src(%dma_wait3A_21 : memref<79x128xi32, #tpu.memory_space<hbm>>) dst(%arg7 : memref<79x128xi32, #tpu.memory_space<vmem>>)
      tpu.yield
    }) : () -> ()
    "tpu.region"() ({
      %run_scoped3A = tpu.sem_alloc : memref<!tpu.dma_semaphore, #tpu.memory_space<semaphore_mem>>
      %dma_start3A = arith.constant 0 : i32
      %dma_start3A_8 = tpu.memref_slice %arg2[%mul3A_2, %dma_start3A] : memref<10240x64xf32, #tpu.memory_space<hbm>> -> memref<640x64xf32, #tpu.memory_space<hbm>>
      %dma_start3A_9 = arith.constant 0 : i32
      %dma_start3A_10 = tpu.memref_slice %arg2[%mul3A_2, %dma_start3A_9] : memref<10240x64xf32, #tpu.memory_space<hbm>> -> memref<640x64xf32, #tpu.memory_space<hbm>>
      tpu.enqueue_dma source(%dma_start3A_10 : memref<640x64xf32, #tpu.memory_space<hbm>>) target(%arg9 : memref<640x64xf32, #tpu.memory_space<vmem>>) target_semaphore(%run_scoped3A : memref<!tpu.dma_semaphore, #tpu.memory_space<semaphore_mem>>)
      %dma_wait3A = arith.constant 0 : i32
      %dma_wait3A_11 = tpu.memref_slice %arg2[%mul3A_2, %dma_wait3A] : memref<10240x64xf32, #tpu.memory_space<hbm>> -> memref<640x64xf32, #tpu.memory_space<hbm>>
      %dma_wait3A_12 = arith.constant 0 : i32
      %dma_wait3A_13 = tpu.memref_slice %arg2[%mul3A_2, %dma_wait3A_12] : memref<10240x64xf32, #tpu.memory_space<hbm>> -> memref<640x64xf32, #tpu.memory_space<hbm>>
      tpu.wait_dma2 semaphore(%run_scoped3A : memref<!tpu.dma_semaphore, #tpu.memory_space<semaphore_mem>>) src(%dma_wait3A_13 : memref<640x64xf32, #tpu.memory_space<hbm>>) dst(%arg9 : memref<640x64xf32, #tpu.memory_space<vmem>>)
      tpu.yield
    }) : () -> ()
    "tpu.region"() ({
      %run_scoped3A = tpu.sem_alloc : memref<!tpu.dma_semaphore, #tpu.memory_space<semaphore_mem>>
      %dma_start3A = arith.constant 0 : i32
      %dma_start3A_8 = tpu.memref_slice %arg10[%mul3A_2, %dma_start3A] : memref<10240x64xf32, #tpu.memory_space<vmem_shared>> -> memref<640x64xf32, #tpu.memory_space<vmem_shared>>
      %dma_start3A_9 = arith.constant 0 : i32
      %dma_start3A_10 = tpu.memref_slice %arg10[%mul3A_2, %dma_start3A_9] : memref<10240x64xf32, #tpu.memory_space<vmem_shared>> -> memref<640x64xf32, #tpu.memory_space<vmem_shared>>
      tpu.enqueue_dma source(%arg9 : memref<640x64xf32, #tpu.memory_space<vmem>>) target(%dma_start3A_10 : memref<640x64xf32, #tpu.memory_space<vmem_shared>>) target_semaphore(%run_scoped3A : memref<!tpu.dma_semaphore, #tpu.memory_space<semaphore_mem>>)
      %dma_wait3A = arith.constant 0 : i32
      %dma_wait3A_11 = tpu.memref_slice %arg10[%mul3A_2, %dma_wait3A] : memref<10240x64xf32, #tpu.memory_space<vmem_shared>> -> memref<640x64xf32, #tpu.memory_space<vmem_shared>>
      %dma_wait3A_12 = arith.constant 0 : i32
      %dma_wait3A_13 = tpu.memref_slice %arg10[%mul3A_2, %dma_wait3A_12] : memref<10240x64xf32, #tpu.memory_space<vmem_shared>> -> memref<640x64xf32, #tpu.memory_space<vmem_shared>>
      tpu.wait_dma2 semaphore(%run_scoped3A : memref<!tpu.dma_semaphore, #tpu.memory_space<semaphore_mem>>) src(%arg9 : memref<640x64xf32, #tpu.memory_space<vmem>>) dst(%dma_wait3A_13 : memref<640x64xf32, #tpu.memory_space<vmem_shared>>)
      tpu.yield
    }) : () -> ()
    %barrier3A = arith.constant 0 : index
    tpu.barrier barrier_id(%barrier3A)
    %scan3A = arith.constant 0 : i32
    %scan3A_3 = arith.constant 79 : i32
    %scan3A_4 = arith.addi %scan3A, %scan3A_3 : i32
    %scan3A_5 = arith.constant 1 : i32
    scf.for %scan3A_8 = %scan3A to %scan3A_4 step %scan3A_5  : i32 {
      %mul3A_9 = arith.constant 1 : i32
      %mul3A_10 = arith.muli %scan3A_8, %mul3A_9 : i32
      %add3A_11 = arith.constant 0 : i32
      %add3A_12 = arith.addi %add3A_11, %mul3A_10 : i32
      %dma_start3A = arith.constant 0 : i32
      %dma_start3A_13 = tpu.memref_slice %arg6[%add3A_12, %dma_start3A] : memref<79x128xi32, #tpu.memory_space<vmem>> -> memref<1x128xi32, #tpu.memory_space<vmem>>
      %dma_start3A_14 = tpu.memref_squeeze %dma_start3A_13 : memref<1x128xi32, #tpu.memory_space<vmem>> -> memref<128xi32, #tpu.memory_space<vmem>>
      %dma_start3A_15 = arith.constant 0 : i32
      %dma_start3A_16 = arith.constant 0 : i32
      %dma_start3A_17 = tpu.memref_slice %arg2[%dma_start3A_15, %dma_start3A_16] : memref<10240x64xf32, #tpu.memory_space<hbm>> -> memref<10240x64xf32, #tpu.memory_space<hbm>>
      tpu.enqueue_indirect_dma source(%dma_start3A_17 : memref<10240x64xf32, #tpu.memory_space<hbm>>) target(%arg8 : memref<128x64xf32, #tpu.memory_space<vmem>>) offsets(%dma_start3A_14 : memref<128xi32, #tpu.memory_space<vmem>>) semaphore(%arg11 : memref<!tpu.dma_semaphore, #tpu.memory_space<semaphore_mem>>)
      %dma_wait3A = arith.constant 0 : i32
      %dma_wait3A_18 = tpu.memref_slice %arg6[%add3A_12, %dma_wait3A] : memref<79x128xi32, #tpu.memory_space<vmem>> -> memref<1x128xi32, #tpu.memory_space<vmem>>
      %dma_wait3A_19 = tpu.memref_squeeze %dma_wait3A_18 : memref<1x128xi32, #tpu.memory_space<vmem>> -> memref<128xi32, #tpu.memory_space<vmem>>
      %dma_wait3A_20 = arith.constant 0 : i32
      %dma_wait3A_21 = arith.constant 0 : i32
      %dma_wait3A_22 = tpu.memref_slice %arg2[%dma_wait3A_20, %dma_wait3A_21] : memref<10240x64xf32, #tpu.memory_space<hbm>> -> memref<10240x64xf32, #tpu.memory_space<hbm>>
      tpu.wait_indirect_dma semaphore(%arg11 : memref<!tpu.dma_semaphore, #tpu.memory_space<semaphore_mem>>) src(%dma_wait3A_22 : memref<10240x64xf32, #tpu.memory_space<hbm>>) dst(%arg8 : memref<128x64xf32, #tpu.memory_space<vmem>>)
      "tpu.region"() ({
        %run_scoped3A = tpu.sem_alloc : memref<!tpu.dma_semaphore, #tpu.memory_space<semaphore_mem>>
        %dma_start3A_23 = arith.constant 0 : i32
        %dma_start3A_24 = tpu.memref_slice %arg7[%add3A_12, %dma_start3A_23] : memref<79x128xi32, #tpu.memory_space<vmem>> -> memref<1x128xi32, #tpu.memory_space<vmem>>
        %dma_start3A_25 = tpu.memref_squeeze %dma_start3A_24 : memref<1x128xi32, #tpu.memory_space<vmem>> -> memref<128xi32, #tpu.memory_space<vmem>>
        %dma_start3A_26 = arith.constant 0 : i32
        %dma_start3A_27 = arith.constant 0 : i32
        %dma_start3A_28 = tpu.memref_slice %arg10[%dma_start3A_26, %dma_start3A_27] : memref<10240x64xf32, #tpu.memory_space<vmem_shared>> -> memref<10240x64xf32, #tpu.memory_space<vmem_shared>>
        tpu.enqueue_indirect_dma source(%arg8 : memref<128x64xf32, #tpu.memory_space<vmem>>) target(%dma_start3A_28 : memref<10240x64xf32, #tpu.memory_space<vmem_shared>>) offsets(%dma_start3A_25 : memref<128xi32, #tpu.memory_space<vmem>>) semaphore(%run_scoped3A : memref<!tpu.dma_semaphore, #tpu.memory_space<semaphore_mem>>) {add = true}
        %dma_wait3A_29 = arith.constant 0 : i32
        %dma_wait3A_30 = tpu.memref_slice %arg7[%add3A_12, %dma_wait3A_29] : memref<79x128xi32, #tpu.memory_space<vmem>> -> memref<1x128xi32, #tpu.memory_space<vmem>>
        %dma_wait3A_31 = tpu.memref_squeeze %dma_wait3A_30 : memref<1x128xi32, #tpu.memory_space<vmem>> -> memref<128xi32, #tpu.memory_space<vmem>>
        %dma_wait3A_32 = arith.constant 0 : i32
        %dma_wait3A_33 = arith.constant 0 : i32
        %dma_wait3A_34 = tpu.memref_slice %arg10[%dma_wait3A_32, %dma_wait3A_33] : memref<10240x64xf32, #tpu.memory_space<vmem_shared>> -> memref<10240x64xf32, #tpu.memory_space<vmem_shared>>
        tpu.wait_indirect_dma semaphore(%run_scoped3A : memref<!tpu.dma_semaphore, #tpu.memory_space<semaphore_mem>>) src(%arg8 : memref<128x64xf32, #tpu.memory_space<vmem>>) dst(%dma_wait3A_34 : memref<10240x64xf32, #tpu.memory_space<vmem_shared>>)
        tpu.yield
      }) : () -> ()
    }
    %scan3A_6 = arith.constant 79 : i32
    %barrier3A_7 = arith.constant 0 : index
    tpu.barrier barrier_id(%barrier3A_7)
    "tpu.region"() ({
      %run_scoped3A = tpu.sem_alloc : memref<!tpu.dma_semaphore, #tpu.memory_space<semaphore_mem>>
      %dma_start3A = arith.constant 0 : i32
      %dma_start3A_8 = tpu.memref_slice %arg10[%mul3A_2, %dma_start3A] : memref<10240x64xf32, #tpu.memory_space<vmem_shared>> -> memref<640x64xf32, #tpu.memory_space<vmem_shared>>
      %dma_start3A_9 = arith.constant 0 : i32
      %dma_start3A_10 = tpu.memref_slice %arg10[%mul3A_2, %dma_start3A_9] : memref<10240x64xf32, #tpu.memory_space<vmem_shared>> -> memref<640x64xf32, #tpu.memory_space<vmem_shared>>
      tpu.enqueue_dma source(%dma_start3A_10 : memref<640x64xf32, #tpu.memory_space<vmem_shared>>) target(%arg9 : memref<640x64xf32, #tpu.memory_space<vmem>>) target_semaphore(%run_scoped3A : memref<!tpu.dma_semaphore, #tpu.memory_space<semaphore_mem>>)
      %dma_wait3A = arith.constant 0 : i32
      %dma_wait3A_11 = tpu.memref_slice %arg10[%mul3A_2, %dma_wait3A] : memref<10240x64xf32, #tpu.memory_space<vmem_shared>> -> memref<640x64xf32, #tpu.memory_space<vmem_shared>>
      %dma_wait3A_12 = arith.constant 0 : i32
      %dma_wait3A_13 = tpu.memref_slice %arg10[%mul3A_2, %dma_wait3A_12] : memref<10240x64xf32, #tpu.memory_space<vmem_shared>> -> memref<640x64xf32, #tpu.memory_space<vmem_shared>>
      tpu.wait_dma2 semaphore(%run_scoped3A : memref<!tpu.dma_semaphore, #tpu.memory_space<semaphore_mem>>) src(%dma_wait3A_13 : memref<640x64xf32, #tpu.memory_space<vmem_shared>>) dst(%arg9 : memref<640x64xf32, #tpu.memory_space<vmem>>)
      tpu.yield
    }) : () -> ()
    "tpu.region"() ({
      %run_scoped3A = tpu.sem_alloc : memref<!tpu.dma_semaphore, #tpu.memory_space<semaphore_mem>>
      %dma_start3A = arith.constant 0 : i32
      %dma_start3A_8 = tpu.memref_slice %arg5[%arg0, %mul3A_2, %dma_start3A] : memref<2x10240x64xf32, #tpu.memory_space<hbm>> -> memref<1x640x64xf32, #tpu.memory_space<hbm>>
      %dma_start3A_9 = tpu.memref_squeeze %dma_start3A_8 : memref<1x640x64xf32, #tpu.memory_space<hbm>> -> memref<640x64xf32, #tpu.memory_space<hbm>>
      %dma_start3A_10 = arith.constant 0 : i32
      %dma_start3A_11 = tpu.memref_slice %arg5[%arg0, %mul3A_2, %dma_start3A_10] : memref<2x10240x64xf32, #tpu.memory_space<hbm>> -> memref<1x640x64xf32, #tpu.memory_space<hbm>>
      %dma_start3A_12 = tpu.memref_squeeze %dma_start3A_11 : memref<1x640x64xf32, #tpu.memory_space<hbm>> -> memref<640x64xf32, #tpu.memory_space<hbm>>
      tpu.enqueue_dma source(%arg9 : memref<640x64xf32, #tpu.memory_space<vmem>>) target(%dma_start3A_12 : memref<640x64xf32, #tpu.memory_space<hbm>>) target_semaphore(%run_scoped3A : memref<!tpu.dma_semaphore, #tpu.memory_space<semaphore_mem>>)
      %dma_wait3A = arith.constant 0 : i32
      %dma_wait3A_13 = tpu.memref_slice %arg5[%arg0, %mul3A_2, %dma_wait3A] : memref<2x10240x64xf32, #tpu.memory_space<hbm>> -> memref<1x640x64xf32, #tpu.memory_space<hbm>>
      %dma_wait3A_14 = tpu.memref_squeeze %dma_wait3A_13 : memref<1x640x64xf32, #tpu.memory_space<hbm>> -> memref<640x64xf32, #tpu.memory_space<hbm>>
      %dma_wait3A_15 = arith.constant 0 : i32
      %dma_wait3A_16 = tpu.memref_slice %arg5[%arg0, %mul3A_2, %dma_wait3A_15] : memref<2x10240x64xf32, #tpu.memory_space<hbm>> -> memref<1x640x64xf32, #tpu.memory_space<hbm>>
      %dma_wait3A_17 = tpu.memref_squeeze %dma_wait3A_16 : memref<1x640x64xf32, #tpu.memory_space<hbm>> -> memref<640x64xf32, #tpu.memory_space<hbm>>
      tpu.wait_dma2 semaphore(%run_scoped3A : memref<!tpu.dma_semaphore, #tpu.memory_space<semaphore_mem>>) src(%arg9 : memref<640x64xf32, #tpu.memory_space<vmem>>) dst(%dma_wait3A_17 : memref<640x64xf32, #tpu.memory_space<hbm>>)
      tpu.yield
    }) : () -> ()
    return
  }
}

module attributes {stable_mosaic.version = 14 : i64} {
  func.func @_k2_body(%arg0: i32, %arg1: memref<1024x128xf32, #tpu.memory_space<vmem>>, %arg2: memref<2x1024x1xf32, #tpu.memory_space<vmem>>, %arg3: memref<128x64xf32, #tpu.memory_space<vmem>>, %arg4: memref<1024x64xf32, #tpu.memory_space<vmem>>, %arg5: memref<1024x1xf32, #tpu.memory_space<vmem>>) attributes {dimension_semantics = [#tpu.dimension_semantics<arbitrary>], iteration_bounds = array<i64: 10>, scalar_prefetch = 0 : i64, scratch_operands = 0 : i64, tpu.core_type = #tpu.core_type<tc>, window_params = [{transform_indices = @transform_0, window_bounds = array<i64: 1024, 128>}, {transform_indices = @transform_1, window_bounds = array<i64: 2, 1024, 1>}, {pipeline_mode = #tpu.pipeline_mode<synchronous>, transform_indices = @transform_2, window_bounds = array<i64: 128, 64>}, {transform_indices = @transform_3, window_bounds = array<i64: 1024, 64>}, {transform_indices = @transform_4, window_bounds = array<i64: 1024, 1>}]} {
    %get3A = arith.constant 0 : index
    %get3A_0 = arith.constant 0 : index
    %get3A_1 = arith.constant 0 : index
    %get3A_2 = vector.load %arg2[%get3A, %get3A_0, %get3A_1] : memref<2x1024x1xf32, #tpu.memory_space<vmem>>, vector<1x1024x1xf32>
    %get3A_3 = vector.shape_cast %get3A_2 : vector<1x1024x1xf32> to vector<1024x1xf32>
    %get3A_4 = arith.constant 1 : index
    %get3A_5 = arith.constant 0 : index
    %get3A_6 = arith.constant 0 : index
    %get3A_7 = vector.load %arg2[%get3A_4, %get3A_5, %get3A_6] : memref<2x1024x1xf32, #tpu.memory_space<vmem>>, vector<1x1024x1xf32>
    %get3A_8 = vector.shape_cast %get3A_7 : vector<1x1024x1xf32> to vector<1024x1xf32>
    %add3A = arith.addf %get3A_3, %get3A_8 : vector<1024x1xf32>
    %sub3A = arith.constant 1.000000e+00 : f32
    %sub3A_9 = vector.broadcast %sub3A : f32 to vector<1024x1xf32>
    %sub3A_10 = arith.subf %add3A, %sub3A_9 : vector<1024x1xf32>
    %iota3A = tpu.iota {dimensions = array<i32: 0>} : vector<1024x1xi32>
    %mul3A = arith.constant 1024 : i32
    %mul3A_11 = arith.muli %arg0, %mul3A : i32
    %add3A_12 = vector.broadcast %mul3A_11 : i32 to vector<1024x1xi32>
    %add3A_13 = arith.addi %iota3A, %add3A_12 : vector<1024x1xi32>
    %lt3A = arith.constant 10000 : i32
    %lt3A_14 = vector.broadcast %lt3A : i32 to vector<1024x1xi32>
    %lt3A_15 = arith.cmpi slt, %add3A_13, %lt3A_14 : vector<1024x1xi32>
    %rsqrt3A = math.rsqrt %sub3A_10 : vector<1024x1xf32>
    %jit3A = arith.constant 0.000000e+00 : f32
    %broadcast_in_dim3A = vector.broadcast %jit3A : f32 to vector<1024x1xf32>
    %select_n3A = arith.select %lt3A_15, %rsqrt3A, %broadcast_in_dim3A : vector<1024x1xi1>, vector<1024x1xf32>
    %swap3A = arith.constant 0 : index
    %swap3A_16 = arith.constant 0 : index
    %swap3A_17 = vector.load %arg5[%swap3A, %swap3A_16] : memref<1024x1xf32, #tpu.memory_space<vmem>>, vector<1024x1xf32>
    tpu.vector_store %arg5[%swap3A, %swap3A_16], %select_n3A {strides = array<i32>} : memref<1024x1xf32, #tpu.memory_space<vmem>>, vector<1024x1xf32>,
    %get3A_18 = arith.constant 0 : index
    %get3A_19 = arith.constant 0 : index
    %get3A_20 = vector.load %arg1[%get3A_18, %get3A_19] : memref<1024x128xf32, #tpu.memory_space<vmem>>, vector<1024x128xf32>
    %get3A_21 = arith.constant 0 : index
    %get3A_22 = arith.constant 0 : index
    %get3A_23 = vector.load %arg3[%get3A_21, %get3A_22] : memref<128x64xf32, #tpu.memory_space<vmem>>, vector<128x64xf32>
    %dot_general3A = arith.constant dense<0.000000e+00> : vector<1024x64xf32>
    %dot_general3A_24 = tpu.matmul %get3A_20, %get3A_23, %dot_general3A {dimension_numbers = #tpu.dot_dimension_numbers<[1], [0], [0], [1], [0, 0, 1, 1], [], []>, transpose_lhs_hint = false} : vector<1024x128xf32>, vector<128x64xf32>, vector<1024x64xf32> -> vector<1024x64xf32>
    %mul3A_25 = vector.broadcast %select_n3A : vector<1024x1xf32> to vector<1024x64xf32>
    %mul3A_26 = arith.mulf %dot_general3A_24, %mul3A_25 : vector<1024x64xf32>
    %swap3A_27 = arith.constant 0 : index
    %swap3A_28 = arith.constant 0 : index
    %swap3A_29 = vector.load %arg4[%swap3A_27, %swap3A_28] : memref<1024x64xf32, #tpu.memory_space<vmem>>, vector<1024x64xf32>
    tpu.vector_store %arg4[%swap3A_27, %swap3A_28], %mul3A_26 {strides = array<i32>} : memref<1024x64xf32, #tpu.memory_space<vmem>>, vector<1024x64xf32>,
    return
  }
  func.func @transform_0(%arg0: i32) -> (i32, i32) {
    %c0_i32 = arith.constant 0 : i32
    %c0_i32_0 = arith.constant 0 : i32
    return %arg0, %c0_i32 : i32, i32
  }
  func.func @transform_1(%arg0: i32) -> (i32, i32, i32) {
    %c0_i32 = arith.constant 0 : i32
    %c0_i32_0 = arith.constant 0 : i32
    %c0_i32_1 = arith.constant 0 : i32
    return %c0_i32, %arg0, %c0_i32_0 : i32, i32, i32
  }
  func.func @transform_2(%arg0: i32) -> (i32, i32) {
    %c0_i32 = arith.constant 0 : i32
    %c0_i32_0 = arith.constant 0 : i32
    %c0_i32_1 = arith.constant 0 : i32
    return %c0_i32, %c0_i32_0 : i32, i32
  }
  func.func @transform_3(%arg0: i32) -> (i32, i32) {
    %c0_i32 = arith.constant 0 : i32
    %c0_i32_0 = arith.constant 0 : i32
    return %arg0, %c0_i32 : i32, i32
  }
  func.func @transform_4(%arg0: i32) -> (i32, i32) {
    %c0_i32 = arith.constant 0 : i32
    %c0_i32_0 = arith.constant 0 : i32
    return %arg0, %c0_i32 : i32, i32
  }
}

module attributes {stable_mosaic.version = 14 : i64} {
  func.func @_k4_body(%arg0: i32, %arg1: memref<2x1024x64xf32, #tpu.memory_space<vmem>>, %arg2: memref<1024x64xf32, #tpu.memory_space<vmem>>, %arg3: memref<1024x1xf32, #tpu.memory_space<vmem>>, %arg4: memref<64x32xf32, #tpu.memory_space<vmem>>, %arg5: memref<1x64xf32, #tpu.memory_space<vmem>>, %arg6: memref<1024x32xf32, #tpu.memory_space<vmem>>) attributes {dimension_semantics = [#tpu.dimension_semantics<arbitrary>], iteration_bounds = array<i64: 10>, scalar_prefetch = 0 : i64, scratch_operands = 0 : i64, tpu.core_type = #tpu.core_type<tc>, window_params = [{transform_indices = @transform_0, window_bounds = array<i64: 2, 1024, 64>}, {transform_indices = @transform_1, window_bounds = array<i64: 1024, 64>}, {transform_indices = @transform_2, window_bounds = array<i64: 1024, 1>}, {pipeline_mode = #tpu.pipeline_mode<synchronous>, transform_indices = @transform_3, window_bounds = array<i64: 64, 32>}, {pipeline_mode = #tpu.pipeline_mode<synchronous>, transform_indices = @transform_4, window_bounds = array<i64: 1, 64>}, {transform_indices = @transform_5, window_bounds = array<i64: 1024, 32>}]} {
    %get3A = arith.constant 0 : index
    %get3A_0 = arith.constant 0 : index
    %get3A_1 = arith.constant 0 : index
    %get3A_2 = vector.load %arg1[%get3A, %get3A_0, %get3A_1] : memref<2x1024x64xf32, #tpu.memory_space<vmem>>, vector<1x1024x64xf32>
    %get3A_3 = vector.shape_cast %get3A_2 : vector<1x1024x64xf32> to vector<1024x64xf32>
    %get3A_4 = arith.constant 1 : index
    %get3A_5 = arith.constant 0 : index
    %get3A_6 = arith.constant 0 : index
    %get3A_7 = vector.load %arg1[%get3A_4, %get3A_5, %get3A_6] : memref<2x1024x64xf32, #tpu.memory_space<vmem>>, vector<1x1024x64xf32>
    %get3A_8 = vector.shape_cast %get3A_7 : vector<1x1024x64xf32> to vector<1024x64xf32>
    %add3A = arith.addf %get3A_3, %get3A_8 : vector<1024x64xf32>
    %get3A_9 = arith.constant 0 : index
    %get3A_10 = arith.constant 0 : index
    %get3A_11 = vector.load %arg2[%get3A_9, %get3A_10] : memref<1024x64xf32, #tpu.memory_space<vmem>>, vector<1024x64xf32>
    %sub3A = arith.subf %add3A, %get3A_11 : vector<1024x64xf32>
    %get3A_12 = arith.constant 0 : index
    %get3A_13 = arith.constant 0 : index
    %get3A_14 = vector.load %arg3[%get3A_12, %get3A_13] : memref<1024x1xf32, #tpu.memory_space<vmem>>, vector<1024x1xf32>
    %mul3A = vector.broadcast %get3A_14 : vector<1024x1xf32> to vector<1024x64xf32>
    %mul3A_15 = arith.mulf %mul3A, %sub3A : vector<1024x64xf32>
    %get3A_16 = arith.constant 0 : index
    %get3A_17 = arith.constant 0 : index
    %get3A_18 = vector.load %arg5[%get3A_16, %get3A_17] : memref<1x64xf32, #tpu.memory_space<vmem>>, vector<1x64xf32>
    %add3A_19 = vector.broadcast %get3A_18 : vector<1x64xf32> to vector<1024x64xf32>
    %add3A_20 = arith.addf %mul3A_15, %add3A_19 : vector<1024x64xf32>
    %max3A = arith.constant 0.000000e+00 : f32
    %max3A_21 = vector.broadcast %max3A : f32 to vector<1024x64xf32>
    %max3A_22 = arith.maximumf %add3A_20, %max3A_21 : vector<1024x64xf32>
    %get3A_23 = arith.constant 0 : index
    %get3A_24 = arith.constant 0 : index
    %get3A_25 = vector.load %arg4[%get3A_23, %get3A_24] : memref<64x32xf32, #tpu.memory_space<vmem>>, vector<64x32xf32>
    %dot_general3A = arith.constant dense<0.000000e+00> : vector<1024x32xf32>
    %dot_general3A_26 = tpu.matmul %max3A_22, %get3A_25, %dot_general3A {dimension_numbers = #tpu.dot_dimension_numbers<[1], [0], [0], [1], [0, 0, 1, 1], [], []>, transpose_lhs_hint = false} : vector<1024x64xf32>, vector<64x32xf32>, vector<1024x32xf32> -> vector<1024x32xf32>
    %mul3A_27 = vector.broadcast %get3A_14 : vector<1024x1xf32> to vector<1024x32xf32>
    %mul3A_28 = arith.mulf %dot_general3A_26, %mul3A_27 : vector<1024x32xf32>
    %swap3A = arith.constant 0 : index
    %swap3A_29 = arith.constant 0 : index
    %swap3A_30 = vector.load %arg6[%swap3A, %swap3A_29] : memref<1024x32xf32, #tpu.memory_space<vmem>>, vector<1024x32xf32>
    tpu.vector_store %arg6[%swap3A, %swap3A_29], %mul3A_28 {strides = array<i32>} : memref<1024x32xf32, #tpu.memory_space<vmem>>, vector<1024x32xf32>,
    return
  }
  func.func @transform_0(%arg0: i32) -> (i32, i32, i32) {
    %c0_i32 = arith.constant 0 : i32
    %c0_i32_0 = arith.constant 0 : i32
    %c0_i32_1 = arith.constant 0 : i32
    return %c0_i32, %arg0, %c0_i32_0 : i32, i32, i32
  }
  func.func @transform_1(%arg0: i32) -> (i32, i32) {
    %c0_i32 = arith.constant 0 : i32
    %c0_i32_0 = arith.constant 0 : i32
    return %arg0, %c0_i32 : i32, i32
  }
  func.func @transform_2(%arg0: i32) -> (i32, i32) {
    %c0_i32 = arith.constant 0 : i32
    %c0_i32_0 = arith.constant 0 : i32
    return %arg0, %c0_i32 : i32, i32
  }
  func.func @transform_3(%arg0: i32) -> (i32, i32) {
    %c0_i32 = arith.constant 0 : i32
    %c0_i32_0 = arith.constant 0 : i32
    %c0_i32_1 = arith.constant 0 : i32
    return %c0_i32, %c0_i32_0 : i32, i32
  }
  func.func @transform_4(%arg0: i32) -> (i32, i32) {
    %c0_i32 = arith.constant 0 : i32
    %c0_i32_0 = arith.constant 0 : i32
    %c0_i32_1 = arith.constant 0 : i32
    return %c0_i32, %c0_i32_0 : i32, i32
  }
  func.func @transform_5(%arg0: i32) -> (i32, i32) {
    %c0_i32 = arith.constant 0 : i32
    %c0_i32_0 = arith.constant 0 : i32
    return %arg0, %c0_i32 : i32, i32
  }
}

module attributes {stable_mosaic.version = 14 : i64} {
  func.func @_k6_body(%arg0: memref<2x10240x32xf32, #tpu.memory_space<vmem>>, %arg1: memref<10240x32xf32, #tpu.memory_space<vmem>>, %arg2: memref<10240x1xf32, #tpu.memory_space<vmem>>, %arg3: memref<1x32xf32, #tpu.memory_space<vmem>>, %arg4: memref<32x16xf32, #tpu.memory_space<vmem>>, %arg5: memref<1x16xf32, #tpu.memory_space<vmem>>, %arg6: memref<16x8xf32, #tpu.memory_space<vmem>>, %arg7: memref<1x8xf32, #tpu.memory_space<vmem>>, %arg8: memref<8x32x10xf32, #tpu.memory_space<vmem>>, %arg9: memref<1x10xf32, #tpu.memory_space<vmem>>, %arg10: memref<8x32xf32, #tpu.memory_space<vmem>>, %arg11: memref<1x1xf32, #tpu.memory_space<vmem>>, %arg12: memref<1x10xf32, #tpu.memory_space<vmem>>) attributes {dimension_semantics = [], scalar_prefetch = 0 : i64, scratch_operands = 0 : i64, tpu.core_type = #tpu.core_type<tc>} {
    %get3A = arith.constant 0 : index
    %get3A_0 = arith.constant 0 : index
    %get3A_1 = arith.constant 0 : index
    %get3A_2 = vector.load %arg0[%get3A, %get3A_0, %get3A_1] : memref<2x10240x32xf32, #tpu.memory_space<vmem>>, vector<1x10240x32xf32>
    %get3A_3 = vector.shape_cast %get3A_2 : vector<1x10240x32xf32> to vector<10240x32xf32>
    %get3A_4 = arith.constant 1 : index
    %get3A_5 = arith.constant 0 : index
    %get3A_6 = arith.constant 0 : index
    %get3A_7 = vector.load %arg0[%get3A_4, %get3A_5, %get3A_6] : memref<2x10240x32xf32, #tpu.memory_space<vmem>>, vector<1x10240x32xf32>
    %get3A_8 = vector.shape_cast %get3A_7 : vector<1x10240x32xf32> to vector<10240x32xf32>
    %add3A = arith.addf %get3A_3, %get3A_8 : vector<10240x32xf32>
    %get3A_9 = arith.constant 0 : index
    %get3A_10 = arith.constant 0 : index
    %get3A_11 = vector.load %arg1[%get3A_9, %get3A_10] : memref<10240x32xf32, #tpu.memory_space<vmem>>, vector<10240x32xf32>
    %sub3A = arith.subf %add3A, %get3A_11 : vector<10240x32xf32>
    %get3A_12 = arith.constant 0 : index
    %get3A_13 = arith.constant 0 : index
    %get3A_14 = vector.load %arg2[%get3A_12, %get3A_13] : memref<10240x1xf32, #tpu.memory_space<vmem>>, vector<10240x1xf32>
    %mul3A = vector.broadcast %get3A_14 : vector<10240x1xf32> to vector<10240x32xf32>
    %mul3A_15 = arith.mulf %mul3A, %sub3A : vector<10240x32xf32>
    %get3A_16 = arith.constant 0 : index
    %get3A_17 = arith.constant 0 : index
    %get3A_18 = vector.load %arg3[%get3A_16, %get3A_17] : memref<1x32xf32, #tpu.memory_space<vmem>>, vector<1x32xf32>
    %add3A_19 = vector.broadcast %get3A_18 : vector<1x32xf32> to vector<10240x32xf32>
    %add3A_20 = arith.addf %mul3A_15, %add3A_19 : vector<10240x32xf32>
    %get3A_21 = arith.constant 0 : index
    %get3A_22 = arith.constant 0 : index
    %get3A_23 = vector.load %arg4[%get3A_21, %get3A_22] : memref<32x16xf32, #tpu.memory_space<vmem>>, vector<32x16xf32>
    %dot_general3A = arith.constant dense<0.000000e+00> : vector<10240x16xf32>
    %dot_general3A_24 = tpu.matmul %add3A_20, %get3A_23, %dot_general3A {dimension_numbers = #tpu.dot_dimension_numbers<[1], [0], [0], [1], [0, 0, 1, 1], [], []>, transpose_lhs_hint = false} : vector<10240x32xf32>, vector<32x16xf32>, vector<10240x16xf32> -> vector<10240x16xf32>
    %get3A_25 = arith.constant 0 : index
    %get3A_26 = arith.constant 0 : index
    %get3A_27 = vector.load %arg5[%get3A_25, %get3A_26] : memref<1x16xf32, #tpu.memory_space<vmem>>, vector<1x16xf32>
    %add3A_28 = vector.broadcast %get3A_27 : vector<1x16xf32> to vector<10240x16xf32>
    %add3A_29 = arith.addf %dot_general3A_24, %add3A_28 : vector<10240x16xf32>
    %tanh3A = math.tanh %add3A_29 : vector<10240x16xf32>
    %get3A_30 = arith.constant 0 : index
    %get3A_31 = arith.constant 0 : index
    %get3A_32 = vector.load %arg6[%get3A_30, %get3A_31] : memref<16x8xf32, #tpu.memory_space<vmem>>, vector<16x8xf32>
    %dot_general3A_33 = arith.constant dense<0.000000e+00> : vector<10240x8xf32>
    %dot_general3A_34 = tpu.matmul %tanh3A, %get3A_32, %dot_general3A_33 {dimension_numbers = #tpu.dot_dimension_numbers<[1], [0], [0], [1], [0, 0, 1, 1], [], []>, transpose_lhs_hint = false} : vector<10240x16xf32>, vector<16x8xf32>, vector<10240x8xf32> -> vector<10240x8xf32>
    %get3A_35 = arith.constant 0 : index
    %get3A_36 = arith.constant 0 : index
    %get3A_37 = vector.load %arg7[%get3A_35, %get3A_36] : memref<1x8xf32, #tpu.memory_space<vmem>>, vector<1x8xf32>
    %add3A_38 = vector.broadcast %get3A_37 : vector<1x8xf32> to vector<10240x8xf32>
    %add3A_39 = arith.addf %dot_general3A_34, %add3A_38 : vector<10240x8xf32>
    %iota3A = tpu.iota {dimensions = array<i32: 0>} : vector<10240x1xi32>
    %lt3A = arith.constant 10000 : i32
    %lt3A_40 = vector.broadcast %lt3A : i32 to vector<10240x1xi32>
    %lt3A_41 = arith.cmpi slt, %iota3A, %lt3A_40 : vector<10240x1xi32>
    %jit3A = arith.constant -1.000000e+30 : f32
    %broadcast_in_dim3A = vector.shape_cast %lt3A_41 : vector<10240x1xi1> to vector<10240x1xi1>
    %broadcast_in_dim3A_42 = vector.broadcast %broadcast_in_dim3A : vector<10240x1xi1> to vector<10240x8xi1>
    %broadcast_in_dim3A_43 = vector.broadcast %jit3A : f32 to vector<10240x8xf32>
    %select_n3A = arith.select %broadcast_in_dim3A_42, %add3A_39, %broadcast_in_dim3A_43 : vector<10240x8xi1>, vector<10240x8xf32>
    %reduce_max3A = arith.constant dense<0xFF800000> : vector<8xf32>
    %reduce_max3A_44 = vector.multi_reduction <maximumf>, %select_n3A, %reduce_max3A [0] : vector<10240x8xf32> to vector<8xf32>
    %broadcast_in_dim3A_45 = vector.shape_cast %reduce_max3A_44 : vector<8xf32> to vector<1x8xf32>
    %sub3A_46 = vector.broadcast %broadcast_in_dim3A_45 : vector<1x8xf32> to vector<10240x8xf32>
    %sub3A_47 = arith.subf %select_n3A, %sub3A_46 : vector<10240x8xf32>
    %exp3A = math.exp %sub3A_47 : vector<10240x8xf32>
    %reduce_sum3A = arith.constant dense<0.000000e+00> : vector<8xf32>
    %reduce_sum3A_48 = vector.multi_reduction <add>, %exp3A, %reduce_sum3A [0] : vector<10240x8xf32> to vector<8xf32>
    %broadcast_in_dim3A_49 = vector.shape_cast %reduce_sum3A_48 : vector<8xf32> to vector<1x8xf32>
    %div3A = vector.broadcast %broadcast_in_dim3A_49 : vector<1x8xf32> to vector<10240x8xf32>
    %div3A_50 = arith.divf %exp3A, %div3A : vector<10240x8xf32>
    %dot_general3A_51 = arith.constant dense<0.000000e+00> : vector<8x32xf32>
    %dot_general3A_52 = tpu.matmul %div3A_50, %add3A_20, %dot_general3A_51 {dimension_numbers = #tpu.dot_dimension_numbers<[0], [0], [1], [1], [0, 1, 1, 1], [], []>, transpose_lhs_hint = false} : vector<10240x8xf32>, vector<10240x32xf32>, vector<8x32xf32> -> vector<8x32xf32>
    %swap3A = arith.constant 0 : index
    %swap3A_53 = arith.constant 0 : index
    %swap3A_54 = vector.load %arg10[%swap3A, %swap3A_53] : memref<8x32xf32, #tpu.memory_space<vmem>>, vector<8x32xf32>
    tpu.vector_store %arg10[%swap3A, %swap3A_53], %dot_general3A_52 {strides = array<i32>} : memref<8x32xf32, #tpu.memory_space<vmem>>, vector<8x32xf32>,
    %dot_general3A_55 = arith.constant dense<0.000000e+00> : vector<8x8xf32>
    %dot_general3A_56 = tpu.matmul %div3A_50, %div3A_50, %dot_general3A_55 {dimension_numbers = #tpu.dot_dimension_numbers<[0], [0], [1], [1], [0, 1, 1, 1], [], []>, transpose_lhs_hint = false} : vector<10240x8xf32>, vector<10240x8xf32>, vector<8x8xf32> -> vector<8x8xf32>
    %iota3A_57 = tpu.iota {dimensions = array<i32: 0>} : vector<8x8xi32>
    %iota3A_58 = tpu.iota {dimensions = array<i32: 1>} : vector<8x8xi32>
    %add3A_59 = arith.constant 0 : i32
    %add3A_60 = vector.broadcast %add3A_59 : i32 to vector<8x8xi32>
    %add3A_61 = arith.addi %iota3A_57, %add3A_60 : vector<8x8xi32>
    %eq3A = arith.cmpi eq, %add3A_61, %iota3A_58 : vector<8x8xi32>
    %convert_element_type3A = arith.extui %eq3A : vector<8x8xi1> to vector<8x8xi32>
    %convert_element_type3A_62 = arith.sitofp %convert_element_type3A : vector<8x8xi32> to vector<8x8xf32>
    %sub3A_63 = arith.subf %dot_general3A_56, %convert_element_type3A_62 : vector<8x8xf32>
    %mul3A_64 = arith.mulf %sub3A_63, %sub3A_63 : vector<8x8xf32>
    %reduce_sum3A_65 = arith.constant dense<0.000000e+00> : vector<8xf32>
    %reduce_sum3A_66 = vector.multi_reduction <add>, %mul3A_64, %reduce_sum3A_65 [1] : vector<8x8xf32> to vector<8xf32>
    %sqrt3A = math.sqrt %reduce_sum3A_66 : vector<8xf32>
    %reduce_sum3A_67 = vector.shape_cast %sqrt3A : vector<8xf32> to vector<1x8xf32>
    %reduce_sum3A_68 = arith.constant dense<0.000000e+00> : vector<1xf32>
    %reduce_sum3A_69 = vector.multi_reduction <add>, %reduce_sum3A_67, %reduce_sum3A_68 [1] : vector<1x8xf32> to vector<1xf32>
    %reduce_sum3A_70 = vector.shape_cast %reduce_sum3A_69 : vector<1xf32> to vector<1x1xf32>
    %reduce_sum3A_71 = vector.extract %reduce_sum3A_70[0, 0] : f32 from vector<1x1xf32>
    %reshape3A = vector.broadcast %reduce_sum3A_71 : f32 to vector<1x1xf32>
    %swap3A_72 = arith.constant 0 : index
    %swap3A_73 = arith.constant 0 : index
    %swap3A_74 = vector.load %arg11[%swap3A_72, %swap3A_73] : memref<1x1xf32, #tpu.memory_space<vmem>>, vector<1x1xf32>
    tpu.vector_store %arg11[%swap3A_72, %swap3A_73], %reshape3A {strides = array<i32>} : memref<1x1xf32, #tpu.memory_space<vmem>>, vector<1x1xf32>,
    %get3A_75 = arith.constant 0 : index
    %get3A_76 = arith.constant 0 : index
    %get3A_77 = vector.load %arg9[%get3A_75, %get3A_76] : memref<1x10xf32, #tpu.memory_space<vmem>>, vector<1x10xf32>
    %slice3A = vector.extract_strided_slice %dot_general3A_52 {offsets = [0, 0], sizes = [1, 32], strides = [1, 1]} : vector<8x32xf32> to vector<1x32xf32>
    %get3A_78 = arith.constant 0 : index
    %get3A_79 = arith.constant 0 : index
    %get3A_80 = arith.constant 0 : index
    %get3A_81 = vector.load %arg8[%get3A_78, %get3A_79, %get3A_80] : memref<8x32x10xf32, #tpu.memory_space<vmem>>, vector<1x32x10xf32>
    %get3A_82 = vector.shape_cast %get3A_81 : vector<1x32x10xf32> to vector<32x10xf32>
    %dot_general3A_83 = arith.constant dense<0.000000e+00> : vector<1x10xf32>
    %dot_general3A_84 = tpu.matmul %slice3A, %get3A_82, %dot_general3A_83 {dimension_numbers = #tpu.dot_dimension_numbers<[1], [0], [0], [1], [0, 0, 1, 1], [], []>, transpose_lhs_hint = false} : vector<1x32xf32>, vector<32x10xf32>, vector<1x10xf32> -> vector<1x10xf32>
    %add3A_85 = arith.addf %get3A_77, %dot_general3A_84 : vector<1x10xf32>
    %slice3A_86 = vector.extract_strided_slice %dot_general3A_52 {offsets = [1, 0], sizes = [1, 32], strides = [1, 1]} : vector<8x32xf32> to vector<1x32xf32>
    %get3A_87 = arith.constant 1 : index
    %get3A_88 = arith.constant 0 : index
    %get3A_89 = arith.constant 0 : index
    %get3A_90 = vector.load %arg8[%get3A_87, %get3A_88, %get3A_89] : memref<8x32x10xf32, #tpu.memory_space<vmem>>, vector<1x32x10xf32>
    %get3A_91 = vector.shape_cast %get3A_90 : vector<1x32x10xf32> to vector<32x10xf32>
    %dot_general3A_92 = arith.constant dense<0.000000e+00> : vector<1x10xf32>
    %dot_general3A_93 = tpu.matmul %slice3A_86, %get3A_91, %dot_general3A_92 {dimension_numbers = #tpu.dot_dimension_numbers<[1], [0], [0], [1], [0, 0, 1, 1], [], []>, transpose_lhs_hint = false} : vector<1x32xf32>, vector<32x10xf32>, vector<1x10xf32> -> vector<1x10xf32>
    %add3A_94 = arith.addf %add3A_85, %dot_general3A_93 : vector<1x10xf32>
    %slice3A_95 = vector.extract_strided_slice %dot_general3A_52 {offsets = [2, 0], sizes = [1, 32], strides = [1, 1]} : vector<8x32xf32> to vector<1x32xf32>
    %get3A_96 = arith.constant 2 : index
    %get3A_97 = arith.constant 0 : index
    %get3A_98 = arith.constant 0 : index
    %get3A_99 = vector.load %arg8[%get3A_96, %get3A_97, %get3A_98] : memref<8x32x10xf32, #tpu.memory_space<vmem>>, vector<1x32x10xf32>
    %get3A_100 = vector.shape_cast %get3A_99 : vector<1x32x10xf32> to vector<32x10xf32>
    %dot_general3A_101 = arith.constant dense<0.000000e+00> : vector<1x10xf32>
    %dot_general3A_102 = tpu.matmul %slice3A_95, %get3A_100, %dot_general3A_101 {dimension_numbers = #tpu.dot_dimension_numbers<[1], [0], [0], [1], [0, 0, 1, 1], [], []>, transpose_lhs_hint = false} : vector<1x32xf32>, vector<32x10xf32>, vector<1x10xf32> -> vector<1x10xf32>
    %add3A_103 = arith.addf %add3A_94, %dot_general3A_102 : vector<1x10xf32>
    %slice3A_104 = vector.extract_strided_slice %dot_general3A_52 {offsets = [3, 0], sizes = [1, 32], strides = [1, 1]} : vector<8x32xf32> to vector<1x32xf32>
    %get3A_105 = arith.constant 3 : index
    %get3A_106 = arith.constant 0 : index
    %get3A_107 = arith.constant 0 : index
    %get3A_108 = vector.load %arg8[%get3A_105, %get3A_106, %get3A_107] : memref<8x32x10xf32, #tpu.memory_space<vmem>>, vector<1x32x10xf32>
    %get3A_109 = vector.shape_cast %get3A_108 : vector<1x32x10xf32> to vector<32x10xf32>
    %dot_general3A_110 = arith.constant dense<0.000000e+00> : vector<1x10xf32>
    %dot_general3A_111 = tpu.matmul %slice3A_104, %get3A_109, %dot_general3A_110 {dimension_numbers = #tpu.dot_dimension_numbers<[1], [0], [0], [1], [0, 0, 1, 1], [], []>, transpose_lhs_hint = false} : vector<1x32xf32>, vector<32x10xf32>, vector<1x10xf32> -> vector<1x10xf32>
    %add3A_112 = arith.addf %add3A_103, %dot_general3A_111 : vector<1x10xf32>
    %slice3A_113 = vector.extract_strided_slice %dot_general3A_52 {offsets = [4, 0], sizes = [1, 32], strides = [1, 1]} : vector<8x32xf32> to vector<1x32xf32>
    %get3A_114 = arith.constant 4 : index
    %get3A_115 = arith.constant 0 : index
    %get3A_116 = arith.constant 0 : index
    %get3A_117 = vector.load %arg8[%get3A_114, %get3A_115, %get3A_116] : memref<8x32x10xf32, #tpu.memory_space<vmem>>, vector<1x32x10xf32>
    %get3A_118 = vector.shape_cast %get3A_117 : vector<1x32x10xf32> to vector<32x10xf32>
    %dot_general3A_119 = arith.constant dense<0.000000e+00> : vector<1x10xf32>
    %dot_general3A_120 = tpu.matmul %slice3A_113, %get3A_118, %dot_general3A_119 {dimension_numbers = #tpu.dot_dimension_numbers<[1], [0], [0], [1], [0, 0, 1, 1], [], []>, transpose_lhs_hint = false} : vector<1x32xf32>, vector<32x10xf32>, vector<1x10xf32> -> vector<1x10xf32>
    %add3A_121 = arith.addf %add3A_112, %dot_general3A_120 : vector<1x10xf32>
    %slice3A_122 = vector.extract_strided_slice %dot_general3A_52 {offsets = [5, 0], sizes = [1, 32], strides = [1, 1]} : vector<8x32xf32> to vector<1x32xf32>
    %get3A_123 = arith.constant 5 : index
    %get3A_124 = arith.constant 0 : index
    %get3A_125 = arith.constant 0 : index
    %get3A_126 = vector.load %arg8[%get3A_123, %get3A_124, %get3A_125] : memref<8x32x10xf32, #tpu.memory_space<vmem>>, vector<1x32x10xf32>
    %get3A_127 = vector.shape_cast %get3A_126 : vector<1x32x10xf32> to vector<32x10xf32>
    %dot_general3A_128 = arith.constant dense<0.000000e+00> : vector<1x10xf32>
    %dot_general3A_129 = tpu.matmul %slice3A_122, %get3A_127, %dot_general3A_128 {dimension_numbers = #tpu.dot_dimension_numbers<[1], [0], [0], [1], [0, 0, 1, 1], [], []>, transpose_lhs_hint = false} : vector<1x32xf32>, vector<32x10xf32>, vector<1x10xf32> -> vector<1x10xf32>
    %add3A_130 = arith.addf %add3A_121, %dot_general3A_129 : vector<1x10xf32>
    %slice3A_131 = vector.extract_strided_slice %dot_general3A_52 {offsets = [6, 0], sizes = [1, 32], strides = [1, 1]} : vector<8x32xf32> to vector<1x32xf32>
    %get3A_132 = arith.constant 6 : index
    %get3A_133 = arith.constant 0 : index
    %get3A_134 = arith.constant 0 : index
    %get3A_135 = vector.load %arg8[%get3A_132, %get3A_133, %get3A_134] : memref<8x32x10xf32, #tpu.memory_space<vmem>>, vector<1x32x10xf32>
    %get3A_136 = vector.shape_cast %get3A_135 : vector<1x32x10xf32> to vector<32x10xf32>
    %dot_general3A_137 = arith.constant dense<0.000000e+00> : vector<1x10xf32>
    %dot_general3A_138 = tpu.matmul %slice3A_131, %get3A_136, %dot_general3A_137 {dimension_numbers = #tpu.dot_dimension_numbers<[1], [0], [0], [1], [0, 0, 1, 1], [], []>, transpose_lhs_hint = false} : vector<1x32xf32>, vector<32x10xf32>, vector<1x10xf32> -> vector<1x10xf32>
    %add3A_139 = arith.addf %add3A_130, %dot_general3A_138 : vector<1x10xf32>
    %slice3A_140 = vector.extract_strided_slice %dot_general3A_52 {offsets = [7, 0], sizes = [1, 32], strides = [1, 1]} : vector<8x32xf32> to vector<1x32xf32>
    %get3A_141 = arith.constant 7 : index
    %get3A_142 = arith.constant 0 : index
    %get3A_143 = arith.constant 0 : index
    %get3A_144 = vector.load %arg8[%get3A_141, %get3A_142, %get3A_143] : memref<8x32x10xf32, #tpu.memory_space<vmem>>, vector<1x32x10xf32>
    %get3A_145 = vector.shape_cast %get3A_144 : vector<1x32x10xf32> to vector<32x10xf32>
    %dot_general3A_146 = arith.constant dense<0.000000e+00> : vector<1x10xf32>
    %dot_general3A_147 = tpu.matmul %slice3A_140, %get3A_145, %dot_general3A_146 {dimension_numbers = #tpu.dot_dimension_numbers<[1], [0], [0], [1], [0, 0, 1, 1], [], []>, transpose_lhs_hint = false} : vector<1x32xf32>, vector<32x10xf32>, vector<1x10xf32> -> vector<1x10xf32>
    %add3A_148 = arith.addf %add3A_139, %dot_general3A_147 : vector<1x10xf32>
    %reduce_max3A_149 = arith.constant dense<0xFF800000> : vector<1xf32>
    %reduce_max3A_150 = vector.multi_reduction <maximumf>, %add3A_148, %reduce_max3A_149 [1] : vector<1x10xf32> to vector<1xf32>
    %broadcast_in_dim3A_151 = vector.shape_cast %reduce_max3A_150 : vector<1xf32> to vector<1x1xf32>
    %sub3A_152 = vector.broadcast %broadcast_in_dim3A_151 : vector<1x1xf32> to vector<1x10xf32>
    %sub3A_153 = arith.subf %add3A_148, %sub3A_152 : vector<1x10xf32>
    %exp3A_154 = math.exp %sub3A_153 : vector<1x10xf32>
    %reduce_sum3A_155 = arith.constant dense<0.000000e+00> : vector<1xf32>
    %reduce_sum3A_156 = vector.multi_reduction <add>, %exp3A_154, %reduce_sum3A_155 [1] : vector<1x10xf32> to vector<1xf32>
    %broadcast_in_dim3A_157 = vector.shape_cast %reduce_sum3A_156 : vector<1xf32> to vector<1x1xf32>
    %log3A = math.log %broadcast_in_dim3A_157 : vector<1x1xf32>
    %sub3A_158 = vector.broadcast %broadcast_in_dim3A_151 : vector<1x1xf32> to vector<1x10xf32>
    %sub3A_159 = arith.subf %add3A_148, %sub3A_158 : vector<1x10xf32>
    %sub3A_160 = vector.broadcast %log3A : vector<1x1xf32> to vector<1x10xf32>
    %sub3A_161 = arith.subf %sub3A_159, %sub3A_160 : vector<1x10xf32>
    %swap3A_162 = arith.constant 0 : index
    %swap3A_163 = arith.constant 0 : index
    %swap3A_164 = vector.load %arg12[%swap3A_162, %swap3A_163] : memref<1x10xf32, #tpu.memory_space<vmem>>, vector<1x10xf32>
    tpu.vector_store %arg12[%swap3A_162, %swap3A_163], %sub3A_161 {strides = array<i32>} : memref<1x10xf32, #tpu.memory_space<vmem>>, vector<1x10xf32>,
    return
  }
}

</mosaic_0001>

<sc_bundles>
// kernel: kernel.11.cloned.1.call-start
scs
__scs_entry_jumppad:
0x0: {  	(pc) =	sbr.rel $0x88, $3  }
0x1: {  	(tag) =	ssettag $0x0;
	lr =	simm.s32 $0x1  }
0x2: {  	[smem:$0x3F95] =	sst lr;
	_ =	strace $0xD0000000  }
0x3: {  	_ = 	snop  }
0x4: {  	_ = 	snop  }
0x5: {  	_ = 	snop  }
0x6: {  	_ = 	snop  }
0x7: {  	_ = 	snop  }
__scs_overlays_trampoline_lowered:
0x8: {  	[smem:$0x3FA4] =	sst s0  }
0x9: {  	[smem:$0x3FA5] =	sst s1  }
0xa: {  	[smem:$0x3FA6] =	sst s2  }
0xb: {  	[smem:$0x3FA7] =	sst s3  }
0xc: {  	[smem:$0x3FA8] =	sst s4  }
0xd: {  	[smem:$0x3FA9] =	sst s5  }
0xe: {  	[smem:$0x3FAA] =	sst s6  }
0xf: {  	[smem:$0x3FAB] =	sst s7  }
0x10: {  	[smem:$0x3FAC] =	sst s8  }
0x11: {  	[smem:$0x3FAD] =	sst s9;
	s0 =	simm.s32 @!p0 $0x0  }
0x12: {  	s1 =	sld [smem:$0x3F93];
	s0 =	simm.s32 @p0 $0x1  }
0x13: {  	[smem:$0x3FAE] =	sst s0;
	s0 =	simm.s32 @!p1 $0x0  }
0x14: {  	s2 =	sld [smem:$0x3F92];
	s0 =	simm.s32 @p1 $0x1  }
0x15: {  	[smem:$0x3FAF] =	sst s0;
	s0 =	simm.s32 @!p2 $0x0  }
0x16: {  	s3 =	sld [smem:$0x3FDB];
	s0 =	simm.s32 @p2 $0x1  }
0x17: {  	s4 =	simm.s32 $0x1BF5;
	[smem:$0x3FB1] =	sst s0  }
0x18: {  	s0 =	sld [smem:$0x3F94];
	_ =	swait.ge [sflag:s4], $0x0  }
0x19: {  	s7 =	sld [smem:$0x3F95]  }
0x1a: {  	s8 =	sadd.s32 $0xFFFFE003, lr  }
0x1b: {  	s9 =	sadd.s32 $0xFFFFFEF7, lr;
	s5 =	simm.s32 $0xFFFFFFFF;
	p2 =	slt.u32 s8, $0xFFFFF086  }
0x1c: {  	p1 =	slt.u32 s9, $0xF7A;
	s5 =	simm.s32 @!p2 $0x0  }
0x1d: {  	s5 =	simm.s32 @p1 $0x1;
	p0 =	seq.s32 s7, s2  }
0x1e: {  	s7 =	smul.u32 @!p0 $0xF7A, s2;
	p2 =	seq.s32 @!p0 s5, $0x0  }
0x1f: {  	s9 =	smul.u32 $0xF7A, s1;
	s8 =	simm.s32 @!p0 $0x1BF5;
	p2 =	por !p2, p0  }
0x20: {  	[sflag:s8] =	ssyncset.s32 @!p0 $0xFFFFF086;
	s6 =	sadd.s32 @!p0 s3, s7;
	s7 =	simm.s32 @!p0 $0x108  }
0x21: {  	s3 =	sadd.s32 s3, s9;
	s6 =	sadd.s32 @!p0 $0x88, s6;
	s7 =	simm.s32 @p2 $0x1082  }
0x22: {  	[simem:s7], [sflag:s8] =	dma.local @!p0 [hbm:s6], $0xF7A  }
0x23: {  	s9 =	sor.u32 $0xD0000000, s2;
	s6 =	simm.s32 $0x108;
	_ =	swait.ge @!p0 [sflag:s8], $0x0  }
0x24: {  	s3 =	sadd.s32 $0x88, s3;
	s6 =	simm.s32 @!p1 $0x1082;
	[sflag:s4] =	ssyncset.s32 $0xFFFFF086  }
0x25: {  	[simem:s6], [sflag:s4] =	dma.local [hbm:s3], $0xF7A  }
0x26: {  	[smem:$0x3F95] =	sst s1;
	(tag) =	ssettag s2;
	_ =	strace s9  }
0x27: {  	s1 =	sld [smem:$0x3FA5]  }
0x28: {  	s2 =	sld [smem:$0x3FA6]  }
0x29: {  	s4 =	sld [smem:$0x3FA8]  }
0x2a: {  	p0 =	seq.s32 s5, $0x0;
	s5 =	sld [smem:$0x3FA9]  }
0x2b: {  	s6 =	sld [smem:$0x3FAA]  }
0x2c: {  	s7 =	sld [smem:$0x3FAB]  }
0x2d: {  	s3 =	simm.s32 $0x108;
	s8 =	sld [smem:$0x3FAC]  }
0x2e: {  	s3 =	simm.s32 @!p0 $0x1082;
	s9 =	sld [smem:$0x3FAD]  }
0x2f: {  	lr =	sadd.s32 s0, s3;
	s0 =	sld [smem:$0x3FA4]  }
0x30: {  	s3 =	sld [smem:$0x3FA7]  }
0x31: {  	[smem:$0x3FB0] =	sst s10  }
0x32: {  	s10 =	sld [smem:$0x3FAE];
	_ =	sdelay $0x3  }
0x33: {  	p0 =	seq.s32 s10, $0x1;
	s10 =	sld [smem:$0x3FB0];
	_ =	sdelay $0x3  }
0x34: {  	[smem:$0x3FB0] =	sst s10  }
0x35: {  	s10 =	sld [smem:$0x3FAF];
	_ =	sdelay $0x3  }
0x36: {  	p1 =	seq.s32 s10, $0x1;
	s10 =	sld [smem:$0x3FB0];
	_ =	sdelay $0x3  }
0x37: {  	[smem:$0x3FB0] =	sst s10  }
0x38: {  	s10 =	sld [smem:$0x3FB1]  }
0x39: {  	_ = 	snop;
	(pc) =	sbr.ind lr, $3  }
0x3a: {  	_ = 	snop  }
0x3b: {  	_ = 	snop  }
0x3c: {  	p2 =	seq.s32 s10, $0x1;
	s10 =	sld [smem:$0x3FB0]  }
0x3d: {  	_ =	shalt  }
0x3e: {  	_ =	shalt  }
0x3f: {  	_ =	shalt  }
0x40: {  	_ =	shalt  }
0x41: {  	_ =	shalt  }
0x42: {  	_ =	shalt  }
0x43: {  	_ =	shalt  }
0x44: {  	_ =	shalt  }
0x45: {  	_ =	shalt  }
0x46: {  	_ =	shalt  }
0x47: {  	_ =	shalt  }
0x48: {  	_ =	shalt  }
0x49: {  	_ =	shalt  }
0x4a: {  	_ =	shalt  }
0x4b: {  	_ =	shalt  }
0x4c: {  	_ =	shalt  }
0x4d: {  	_ =	shalt  }
0x4e: {  	_ =	shalt  }
0x4f: {  	_ =	shalt  }
0x50: {  	_ =	shalt  }
0x51: {  	_ =	shalt  }
0x52: {  	_ =	shalt  }
0x53: {  	_ =	shalt  }
0x54: {  	_ =	shalt  }
0x55: {  	_ =	shalt  }
0x56: {  	_ =	shalt  }
0x57: {  	_ =	shalt  }
0x58: {  	_ =	shalt  }
0x59: {  	_ =	shalt  }
0x5a: {  	_ =	shalt  }
0x5b: {  	_ =	shalt  }
0x5c: {  	_ =	shalt  }
0x5d: {  	_ =	shalt  }
0x5e: {  	_ =	shalt  }
0x5f: {  	_ =	shalt  }
0x60: {  	_ =	shalt  }
0x61: {  	_ =	shalt  }
0x62: {  	_ =	shalt  }
0x63: {  	_ =	shalt  }
0x64: {  	_ =	shalt  }
0x65: {  	_ =	shalt  }
0x66: {  	_ =	shalt  }
0x67: {  	_ =	shalt  }
0x68: {  	_ =	shalt  }
0x69: {  	_ =	shalt  }
0x6a: {  	_ =	shalt  }
0x6b: {  	_ =	shalt  }
0x6c: {  	_ =	shalt  }
0x6d: {  	_ =	shalt  }
0x6e: {  	_ =	shalt  }
0x6f: {  	_ =	shalt  }
0x70: {  	_ =	shalt  }
0x71: {  	_ =	shalt  }
0x72: {  	_ =	shalt  }
0x73: {  	_ =	shalt  }
0x74: {  	_ =	shalt  }
0x75: {  	_ =	shalt  }
0x76: {  	_ =	shalt  }
0x77: {  	_ =	shalt  }
0x78: {  	_ =	shalt  }
0x79: {  	_ =	shalt  }
0x7a: {  	_ =	shalt  }
0x7b: {  	_ =	shalt  }
0x7c: {  	_ =	shalt  }
0x7d: {  	_ =	shalt  }
0x7e: {  	_ =	shalt  }
0x7f: {  	_ =	shalt  }
0x80: {  	_ =	shalt  }
0x81: {  	_ =	shalt  }
0x82: {  	_ =	shalt  }
0x83: {  	_ =	shalt  }
0x84: {  	_ =	shalt  }
0x85: {  	_ =	shalt  }
0x86: {  	_ =	shalt  }
0x87: {  	_ =	shalt  }
.Lfunc_end0:
.L_simem_size_0:
called_computation.1_lowered:
.L_overlay_start_0:
0x88: {  	s2 =	sld [smem:$0x3FD9]  }
0x89: {  	s3 =	sld [smem:$0x3FFE];
	_ =	sdelay $0x1  }
0x8a: {  	s1 =	srdreg.scid  }
0x8b: {  	s0 =	sand.u32 $0x1, s1  }
0x8c: {  	s16 =	sshll.u32 s0, $0xA;
	s2 =	sadd.s32 s3, s2  }
0x8d: {  	s2 =	sadd.s32 s2, s16  }
0x8e: {  	[smem:$0x3FBC] =	sst s2  }
0x8f: {  	_ = 	snop  }
0x90: {  	(tm) =	ssettm $0x1  }
0x91: {  	s17 =	sld [smem:$0x3FFB];
	_ =	sdelay $0x3  }
0x92: {  	_ =	strace s17  }
0x93: {  	s2 =	sld [smem:$0x3FFC];
	_ =	sdelay $0x3  }
0x94: {  	_ =	strace s2  }
0x95: {  	s2 =	sld [smem:$0x3FFD];
	_ =	sdelay $0x3  }
0x96: {  	_ =	strace s2  }
0x97: {  	_ =	strace $0x8FFFFFFF  }
0x98: {  	s18 =	sld [smem:$0x3FDB];
	_ =	sdelay $0x1  }
0x99: {  	s19 =	simm.s32 $_scs_section_size  }
0x9a: {  	s4 =	simm.s32 $_size__tile_overlayer_lowered;
	s5 =	simm.s32 $_tile_overlayer_lowered  }
0x9b: {  	s22 =	simm.s32 $0x1BFF;
	s21 =	sshll.u32 s5, $0x1;
	s2 =	sadd.s32 s19, s18  }
0x9c: {  	s6 =	simm.s32 $0x0;
	s20 =	sshll.u32 s4, $0x1;
	s4 =	sadd.s32 s21, s2  }
0x9d: {  	[timem:s6], [sflag:s22] =	dma.local [hbm:s4], s20  }
0x9e: {  	_ =	swait.ge [sflag:s22], s20  }
0x9f: {  	s3 =	ssub.s32 $0x0, s20;
	[sflag:s22] =	ssyncset.done $0x0  }
0xa0: {  	[sflag:s22] =	ssyncadd.s32 s3;
	_ =	sdelay $0x1  }
0xa1: {  	s23 =	simm.s32 $0x1B8B  }
0xa2: {  	_ =	swait.ge [sflag:s23], $0x1  }
0xa3: {  	[sflag:s23] =	ssyncset.done $0x0  }
0xa4: {  	s25 =	simm.s32 $0x1B8E;
	s24 =	sld [smem:$0x3FFE];
	[sflag:s23] =	ssyncadd.s32 $0xFFFFFFFF  }
0xa5: {  	s26 =	simm.s32 $execute0_lowered;
	[smem:$0x3FD2] =	sst s25  }
0xa6: {  	s4 =	sshll.u32 s26, $0x1;
	_ =	strace $0x80000049;
	[dreg:$0x1] =	wrdreg $0xFFFFFFFF  }
0xa7: {  	s28 =	simm.s32 $_size_execute0_lowered;
	s2 =	sadd.s32 s2, s4;
	[dreg:$0x0] =	wrdreg $0x0  }
0xa8: {  	s4 =	sshll.u32 s28, $0x1;
	[dreg:$0x2] =	wrdreg s2  }
0xa9: {  	[dreg:$0x3] =	wrdreg s4  }
0xaa: {  	[dreg:$0x4] =	wrdreg $0xC0  }
0xab: {  	_ =	task [dreg:s6], $0x5FFFF  }
0xac: {  	[dreg:$0x1] =	wrdreg $0xFFFFFFFF  }
0xad: {  	[dreg:$0x0] =	wrdreg $0x60  }
0xae: {  	[dreg:$0x2] =	wrdreg s24  }
0xaf: {  	[dreg:$0x3] =	wrdreg $0x10F000  }
0xb0: {  	[dreg:$0x4] =	wrdreg $0x9  }
0xb1: {  	_ =	task.clear_ibuf [dreg:s6], $0x5FFFF;
	_ =	strace $0x90000049  }
0xb2: {  	s29 =	simm.s32 $0x9;
	_ =	strace $0x8000004B  }
0xb3: {  	_ =	swait.ge [sflag:s29], $0x1  }
0xb4: {  	[sflag:s29] =	ssyncadd.s32 $0xFFFFFFFF  }
0xb5: {  	_ =	strace $0x9000004B  }
0xb6: {  	_ =	sfence  }
0xb7: {  	s30 =	sld [smem:$0x0];
	_ =	sdelay $0x2  }
0xb8: {  	s31 =	sshll.u32 s1, $0xD;
	s1 =	sshrl.u32 s1, $0x2  }
0xb9: {  	s3 =	sand.u32 $0x4000, s31;
	s1 =	sadd.s32 s1, s30  }
0xba: {  	s0 =	sor.u32 s3, s0;
	s1 =	sshll.u32 s1, $0x11  }
0xbb: {  	s0 =	sor.u32 s1, s0  }
0xbc: {  	s0 =	sadd.s32 $0x8F2B, s0  }
0xbd: {  	[sflag:s0] =	ssyncadd.remote.s32 $0x1  }
0xbe: {  	_ =	sfence.sel $0xFFFF  }
0xbf: {  	[dreg:$0x0] =	wrdreg $0xFFFFFFFF;
	(pc) =	sbr.abs _section_cstart, $3  }
0xc0: {  	[dreg:$0x1] =	wrdreg $0xFFFFFFFF  }
0xc1: {  	_ =	task.clear_ibuf [dreg:s6], $0x2FFFF;
	_ =	strace $0x9FFFFFFF  }
0xc2: {  	(tm) =	ssettm $0x7FFFFFFF  }
0xc3: {  	_ =	shalt  }
tec
execute0_lowered:
.L_overlay_start_1:
0x0: {  	(tag) =	ssettag $0x1  }
0x1: {  	s5 =	rddreg [dreg:$0x0]  }
0x2: {  	s2 =	rddreg [dreg:$0x1];
	s3 =	srdreg.scid  }
0x3: {  	s1 =	stileid.u32;
	s0 =	rddreg [dreg:$0x2];
	s12 =	simm.s32 $0x2780  }
0x4: {  	s13 =	simm.s32 $0x6F00;
	s14 =	simm.s32 $0x80;
	s15 =	simm.s32 $0x4F00  }
0x5: {  	s16 =	simm.s32 $0x1;
	s17 =	simm.s32 $0x0;
	s6 =	sand.u32 $0x1, s3  }
0x6: {  	s8 =	smul.u32 $0xA000, s1;
	s3 =	simm.s32 $0x0;
	s4 =	sshll.u32 s6, $0x4  }
0x7: {  	s7 =	smul.u32 $0xA0000, s6;
	[smem:$0x7FF] =	sst s3;
	s6 =	ssub.s32 $0x2, s6  }
0x8: {  	s4 =	sor.u32 s1, s4;
	_ =	strace $0x8000004A;
	s30 =	sshrl.u32 s6, $0x1  }
0x9: {  	s31 =	sshrl.u32 s8, $0x3;
	s9 =	smul.u32 $0x4F0, s4;
	s7 =	sadd.s32 s8, s7  }
0xa: {  	s4 =	sadd.s32 $0x16800, s5;
	s11 =	ssub.s32 s6, s30;
	s7 =	sshrl.u32 s7, $0x3  }
0xb: {  	s8 =	sadd.s32 s8, s2;
	s9 =	sadd.s32 s9, s5;
	s10 =	sadd.s32 s7, s5  }
0xc: {  	s7 =	sadd.s32 s4, s31;
	s5 =	sadd.s32 $0x2C00, s9;
	s6 =	sadd.s32 $0xCA00, s9  }
0xd: {  	s9 =	sadd.s32 $0x2A800, s10;
	s10 =	smax.u32 s11, $0x1;
	s11 =	simm.s32 $0x2  }
.LBB2_1:
0xe: {  	[tilespmem:s3], [sflag:$0x2] =	stream.linear.gather [hbm4b:s5+s3], $0x2780, $0x38;
	[tilespmem:$0x1AF00] =	vst v63  }
0xf: {  	_ =	swait.ge [sflag:s11], $0x2780  }
0x10: {  	[sflag:s11] =	ssyncset.done $0x0  }
0x11: {  	[sflag:s11] =	ssyncadd.s32 $0xFFFFD880  }
0x12: {  	[tilespmem:s12], [sflag:$0x2] =	stream.linear.gather [hbm4b:s6+s3], $0x2780, $0x38;
	[tilespmem:$0x1AF00] =	vst v63  }
0x13: {  	_ =	swait.ge [sflag:s11], $0x2780  }
0x14: {  	[sflag:s11] =	ssyncset.done $0x0  }
0x15: {  	[sflag:s11] =	ssyncadd.s32 $0xFFFFD880  }
0x16: {  	[tilespmem:s13], [sflag:$0x2] =	stream.linear.gather [hbm4b:s7+s3], $0xA000, $0x38;
	[tilespmem:$0x1AF00] =	vst v63  }
0x17: {  	_ =	swait.ge [sflag:s11], $0xA000  }
0x18: {  	[sflag:s11] =	ssyncset.done $0x0  }
0x19: {  	[sflag:s11] =	ssyncadd.s32 $0xFFFF6000  }
0x1a: {  	[spmem:s8] =	stream.linear.scatter [tilespmem:s13], [sflag:$0x2], $0xA000, $0x38;
	[tilespmem:$0x1AF00] =	vst v63  }
0x1b: {  	_ =	swait.ge [sflag:s11], $0xA000  }
0x1c: {  	[sflag:s11] =	ssyncset.done $0x0  }
0x1d: {  	[sflag:s11] =	ssyncadd.s32 $0xFFFF6000  }
0x1e: {  	s18 =	simm.s32 $0x0;
	[bflag:$0x0] =	sbarrier.arrive $0xFFFF  }
0x1f: {  	[tilespmem:s15], [sflag:$0x1] =	stream.indirect.gather [hbm4b:s4+s14], $0x40, s18, s14, $0xb8;
	[tilespmem:$0x1AF00] =	vst v63  }
0x20: {  	_ =	swait.ge [sflag:s16], $0x2000  }
0x21: {  	[sflag:s16] =	ssyncset.done $0x0  }
0x22: {  	s31 =	simm.s32 $0x2780;
	[sflag:s16] =	ssyncadd.s32 $0xFFFFE000  }
0x23: {  	[spmem:s2] =	stream.indirect.scatter.add.f32 [tilespmem:s15], [sflag:$0x2], $0x40, s31, s14, $0xb8;
	[tilespmem:$0x1AF00] =	vst v63  }
0x24: {  	_ =	swait.ge [sflag:s11], $0x2000  }
0x25: {  	s19 =	simm.s32 $0x400;
	s18 =	simm.s32 $0x200;
	[sflag:s11] =	ssyncset.done $0x0  }
.LBB2_2:
0x26: {  	s20 =	sshra.s32 s18, $0x2  }
0x27: {  	[sflag:s11] =	ssyncadd.s32 $0xFFFFE000;
	s18 =	smov.u32 s19;
	s21 =	sadd.s32 $0x200, s19  }
0x28: {  	[tilespmem:s15], [sflag:$0x1] =	stream.indirect.gather [hbm4b:s4+s14], $0x40, s20, s14, $0xb8;
	[tilespmem:$0x1AF00] =	vst v63  }
0x29: {  	p0 =	sne.s32 s19, $0x9C00;
	_ =	swait.ge [sflag:s16], $0x2000  }
.Ltmp0:
0x2a: {  	[sflag:s16] =	ssyncset.done $0x0;
	(pc) =	sbr.rel @p0 .LBB2_2-.Ltmp0, $4  }
0x2b: {  	s19 =	sadd.s32 $0x2780, s20;
	[sflag:s16] =	ssyncadd.s32 $0xFFFFE000  }
0x2c: {  	[spmem:s2] =	stream.indirect.scatter.add.f32 [tilespmem:s15], [sflag:$0x2], $0x40, s19, s14, $0xb8;
	[tilespmem:$0x1AF00] =	vst v63  }
0x2d: {  	_ =	swait.ge [sflag:s11], $0x2000  }
0x2e: {  	s19 =	smov.u32 s21;
	[sflag:s11] =	ssyncset.done $0x0  }
0x2f: {  	s18 =	sshra.s32 s18, $0x2;
	[sflag:s11] =	ssyncadd.s32 $0xFFFFE000  }
0x30: {  	[tilespmem:s15], [sflag:$0x1] =	stream.indirect.gather [hbm4b:s4+s14], $0x40, s18, s14, $0xb8;
	[tilespmem:$0x1AF00] =	vst v63  }
0x31: {  	_ =	swait.ge [sflag:s16], $0x2000  }
0x32: {  	[sflag:s16] =	ssyncset.done $0x0  }
0x33: {  	s18 =	sadd.s32 $0x2780, s18;
	[sflag:s16] =	ssyncadd.s32 $0xFFFFE000  }
0x34: {  	[spmem:s2] =	stream.indirect.scatter.add.f32 [tilespmem:s15], [sflag:$0x2], $0x40, s18, s14, $0xb8;
	[tilespmem:$0x1AF00] =	vst v63  }
0x35: {  	_ =	swait.ge [sflag:s11], $0x2000  }
0x36: {  	[sflag:s11] =	ssyncset.done $0x0  }
0x37: {  	[sflag:s11] =	ssyncadd.s32 $0xFFFFE000  }
0x38: {  	[bflag:$0x0] =	sbarrier.arrive $0xFFFF  }
0x39: {  	[tilespmem:s13], [sflag:$0x2] =	stream.linear.gather [spmem:s8], $0xA000, $0x38;
	[tilespmem:$0x1AF00] =	vst v63  }
0x3a: {  	s17 =	sadd.s32 $0x1, s17;
	_ =	swait.ge [sflag:s11], $0xA000  }
0x3b: {  	p0 =	sne.s32 s17, s10;
	[sflag:s11] =	ssyncset.done $0x0  }
.Ltmp1:
0x3c: {  	[sflag:s11] =	ssyncadd.s32 $0xFFFF6000;
	(pc) =	sbr.rel @p0 .LBB2_1-.Ltmp1, $4  }
0x3d: {  	[hbm4b:s9+s3] =	stream.linear.scatter [tilespmem:s13], [sflag:$0x2], $0xA000, $0x38;
	[tilespmem:$0x1AF00] =	vst v63  }
0x3e: {  	_ =	swait.ge [sflag:s11], $0xA000  }
0x3f: {  	[sflag:s11] =	ssyncset.done $0x0  }
0x40: {  	[sflag:s11] =	ssyncadd.s32 $0xFFFF6000  }
0x41: {  	_ =	sfence.sel $0x180000  }
0x42: {  	[bflag:$0x0] =	sbarrier.arrive $0xFFFF  }
0x43: {  	p0 =	sne.s32 s1, $0x0;
	_ =	strace $0x9000004A  }
0x44: {  	s0 =	sadd.s32 @!p0 $0x100000, s0;
	[bflag:$0x2] =	sbarrier.arrive $0xFFFF  }
0x45: {  	[sflag:s0] =	ssyncadd.tile.s32 @!p0 $0x1;
	_ =	shalt  }
.Lfunc_end2:
_tile_overlayer_lowered:
.L_overlay_start_2:
0x46: {  	(tag) =	ssettag $0x2  }
0x47: {  	s0 =	rddreg [dreg:$0x0];
	s2 =	stileid.u32  }
0x48: {  	s1 =	rddreg [dreg:$0x1];
	p0 =	sne.s32 s2, $0x0  }
0x49: {  	s3 =	rddreg [dreg:$0x2];
	[bflag:$0x3] =	sbarrier.arrive $0xFFFF;
	s2 =	simm.s32 @!p0 $0x1C02  }
0x4a: {  	[timem:s3], [sflag:s2] =	dma.local @!p0 [hbm:s0], s1  }
0x4b: {  	s0 =	simm.s32 @!p0 $0x2  }
0x4c: {  	_ =	swait.ge @!p0 [sflag:s0], s1  }
0x4d: {  	s1 =	ssub.s32 @!p0 $0x0, s1;
	[sflag:s0] =	ssyncset.done @!p0 $0x0  }
0x4e: {  	[sflag:s0] =	ssyncadd.s32 @!p0 s1  }
0x4f: {  	[bflag:$0x3] =	sbarrier.arrive $0xFFFF  }
0x50: {  	_ =	shalt  }

// kernel: kernel.14.cloned.1.call-start
scs
__scs_entry_jumppad:
0x0: {  	(pc) =	sbr.rel $0x88, $3  }
0x1: {  	(tag) =	ssettag $0x0;
	lr =	simm.s32 $0x1  }
0x2: {  	[smem:$0x3F95] =	sst lr;
	_ =	strace $0xD0000000  }
0x3: {  	_ = 	snop  }
0x4: {  	_ = 	snop  }
0x5: {  	_ = 	snop  }
0x6: {  	_ = 	snop  }
0x7: {  	_ = 	snop  }
__scs_overlays_trampoline_lowered:
0x8: {  	[smem:$0x3FA4] =	sst s0  }
0x9: {  	[smem:$0x3FA5] =	sst s1  }
0xa: {  	[smem:$0x3FA6] =	sst s2  }
0xb: {  	[smem:$0x3FA7] =	sst s3  }
0xc: {  	[smem:$0x3FA8] =	sst s4  }
0xd: {  	[smem:$0x3FA9] =	sst s5  }
0xe: {  	[smem:$0x3FAA] =	sst s6  }
0xf: {  	[smem:$0x3FAB] =	sst s7  }
0x10: {  	[smem:$0x3FAC] =	sst s8  }
0x11: {  	[smem:$0x3FAD] =	sst s9;
	s0 =	simm.s32 @!p0 $0x0  }
0x12: {  	s1 =	sld [smem:$0x3F93];
	s0 =	simm.s32 @p0 $0x1  }
0x13: {  	[smem:$0x3FAE] =	sst s0;
	s0 =	simm.s32 @!p1 $0x0  }
0x14: {  	s2 =	sld [smem:$0x3F92];
	s0 =	simm.s32 @p1 $0x1  }
0x15: {  	[smem:$0x3FAF] =	sst s0;
	s0 =	simm.s32 @!p2 $0x0  }
0x16: {  	s3 =	sld [smem:$0x3FDB];
	s0 =	simm.s32 @p2 $0x1  }
0x17: {  	s4 =	simm.s32 $0x1BF5;
	[smem:$0x3FB1] =	sst s0  }
0x18: {  	s0 =	sld [smem:$0x3F94];
	_ =	swait.ge [sflag:s4], $0x0  }
0x19: {  	s7 =	sld [smem:$0x3F95]  }
0x1a: {  	s8 =	sadd.s32 $0xFFFFE003, lr  }
0x1b: {  	s9 =	sadd.s32 $0xFFFFFEF7, lr;
	s5 =	simm.s32 $0xFFFFFFFF;
	p2 =	slt.u32 s8, $0xFFFFF086  }
0x1c: {  	p1 =	slt.u32 s9, $0xF7A;
	s5 =	simm.s32 @!p2 $0x0  }
0x1d: {  	s5 =	simm.s32 @p1 $0x1;
	p0 =	seq.s32 s7, s2  }
0x1e: {  	s7 =	smul.u32 @!p0 $0xF7A, s2;
	p2 =	seq.s32 @!p0 s5, $0x0  }
0x1f: {  	s9 =	smul.u32 $0xF7A, s1;
	s8 =	simm.s32 @!p0 $0x1BF5;
	p2 =	por !p2, p0  }
0x20: {  	[sflag:s8] =	ssyncset.s32 @!p0 $0xFFFFF086;
	s6 =	sadd.s32 @!p0 s3, s7;
	s7 =	simm.s32 @!p0 $0x108  }
0x21: {  	s3 =	sadd.s32 s3, s9;
	s6 =	sadd.s32 @!p0 $0x88, s6;
	s7 =	simm.s32 @p2 $0x1082  }
0x22: {  	[simem:s7], [sflag:s8] =	dma.local @!p0 [hbm:s6], $0xF7A  }
0x23: {  	s9 =	sor.u32 $0xD0000000, s2;
	s6 =	simm.s32 $0x108;
	_ =	swait.ge @!p0 [sflag:s8], $0x0  }
0x24: {  	s3 =	sadd.s32 $0x88, s3;
	s6 =	simm.s32 @!p1 $0x1082;
	[sflag:s4] =	ssyncset.s32 $0xFFFFF086  }
0x25: {  	[simem:s6], [sflag:s4] =	dma.local [hbm:s3], $0xF7A  }
0x26: {  	[smem:$0x3F95] =	sst s1;
	(tag) =	ssettag s2;
	_ =	strace s9  }
0x27: {  	s1 =	sld [smem:$0x3FA5]  }
0x28: {  	s2 =	sld [smem:$0x3FA6]  }
0x29: {  	s4 =	sld [smem:$0x3FA8]  }
0x2a: {  	p0 =	seq.s32 s5, $0x0;
	s5 =	sld [smem:$0x3FA9]  }
0x2b: {  	s6 =	sld [smem:$0x3FAA]  }
0x2c: {  	s7 =	sld [smem:$0x3FAB]  }
0x2d: {  	s3 =	simm.s32 $0x108;
	s8 =	sld [smem:$0x3FAC]  }
0x2e: {  	s3 =	simm.s32 @!p0 $0x1082;
	s9 =	sld [smem:$0x3FAD]  }
0x2f: {  	lr =	sadd.s32 s0, s3;
	s0 =	sld [smem:$0x3FA4]  }
0x30: {  	s3 =	sld [smem:$0x3FA7]  }
0x31: {  	[smem:$0x3FB0] =	sst s10  }
0x32: {  	s10 =	sld [smem:$0x3FAE];
	_ =	sdelay $0x3  }
0x33: {  	p0 =	seq.s32 s10, $0x1;
	s10 =	sld [smem:$0x3FB0];
	_ =	sdelay $0x3  }
0x34: {  	[smem:$0x3FB0] =	sst s10  }
0x35: {  	s10 =	sld [smem:$0x3FAF];
	_ =	sdelay $0x3  }
0x36: {  	p1 =	seq.s32 s10, $0x1;
	s10 =	sld [smem:$0x3FB0];
	_ =	sdelay $0x3  }
0x37: {  	[smem:$0x3FB0] =	sst s10  }
0x38: {  	s10 =	sld [smem:$0x3FB1]  }
0x39: {  	_ = 	snop;
	(pc) =	sbr.ind lr, $3  }
0x3a: {  	_ = 	snop  }
0x3b: {  	_ = 	snop  }
0x3c: {  	p2 =	seq.s32 s10, $0x1;
	s10 =	sld [smem:$0x3FB0]  }
0x3d: {  	_ =	shalt  }
0x3e: {  	_ =	shalt  }
0x3f: {  	_ =	shalt  }
0x40: {  	_ =	shalt  }
0x41: {  	_ =	shalt  }
0x42: {  	_ =	shalt  }
0x43: {  	_ =	shalt  }
0x44: {  	_ =	shalt  }
0x45: {  	_ =	shalt  }
0x46: {  	_ =	shalt  }
0x47: {  	_ =	shalt  }
0x48: {  	_ =	shalt  }
0x49: {  	_ =	shalt  }
0x4a: {  	_ =	shalt  }
0x4b: {  	_ =	shalt  }
0x4c: {  	_ =	shalt  }
0x4d: {  	_ =	shalt  }
0x4e: {  	_ =	shalt  }
0x4f: {  	_ =	shalt  }
0x50: {  	_ =	shalt  }
0x51: {  	_ =	shalt  }
0x52: {  	_ =	shalt  }
0x53: {  	_ =	shalt  }
0x54: {  	_ =	shalt  }
0x55: {  	_ =	shalt  }
0x56: {  	_ =	shalt  }
0x57: {  	_ =	shalt  }
0x58: {  	_ =	shalt  }
0x59: {  	_ =	shalt  }
0x5a: {  	_ =	shalt  }
0x5b: {  	_ =	shalt  }
0x5c: {  	_ =	shalt  }
0x5d: {  	_ =	shalt  }
0x5e: {  	_ =	shalt  }
0x5f: {  	_ =	shalt  }
0x60: {  	_ =	shalt  }
0x61: {  	_ =	shalt  }
0x62: {  	_ =	shalt  }
0x63: {  	_ =	shalt  }
0x64: {  	_ =	shalt  }
0x65: {  	_ =	shalt  }
0x66: {  	_ =	shalt  }
0x67: {  	_ =	shalt  }
0x68: {  	_ =	shalt  }
0x69: {  	_ =	shalt  }
0x6a: {  	_ =	shalt  }
0x6b: {  	_ =	shalt  }
0x6c: {  	_ =	shalt  }
0x6d: {  	_ =	shalt  }
0x6e: {  	_ =	shalt  }
0x6f: {  	_ =	shalt  }
0x70: {  	_ =	shalt  }
0x71: {  	_ =	shalt  }
0x72: {  	_ =	shalt  }
0x73: {  	_ =	shalt  }
0x74: {  	_ =	shalt  }
0x75: {  	_ =	shalt  }
0x76: {  	_ =	shalt  }
0x77: {  	_ =	shalt  }
0x78: {  	_ =	shalt  }
0x79: {  	_ =	shalt  }
0x7a: {  	_ =	shalt  }
0x7b: {  	_ =	shalt  }
0x7c: {  	_ =	shalt  }
0x7d: {  	_ =	shalt  }
0x7e: {  	_ =	shalt  }
0x7f: {  	_ =	shalt  }
0x80: {  	_ =	shalt  }
0x81: {  	_ =	shalt  }
0x82: {  	_ =	shalt  }
0x83: {  	_ =	shalt  }
0x84: {  	_ =	shalt  }
0x85: {  	_ =	shalt  }
0x86: {  	_ =	shalt  }
0x87: {  	_ =	shalt  }
.Lfunc_end0:
.L_simem_size_0:
called_computation.2_lowered:
.L_overlay_start_0:
0x88: {  	s2 =	sld [smem:$0x3FD9]  }
0x89: {  	s3 =	sld [smem:$0x3FFE];
	_ =	sdelay $0x1  }
0x8a: {  	s1 =	srdreg.scid  }
0x8b: {  	s0 =	sand.u32 $0x1, s1  }
0x8c: {  	s16 =	sshll.u32 s0, $0xA;
	s2 =	sadd.s32 s3, s2  }
0x8d: {  	s2 =	sadd.s32 s2, s16  }
0x8e: {  	[smem:$0x3FBC] =	sst s2  }
0x8f: {  	_ = 	snop  }
0x90: {  	(tm) =	ssettm $0x1  }
0x91: {  	s17 =	sld [smem:$0x3FFB];
	_ =	sdelay $0x3  }
0x92: {  	_ =	strace s17  }
0x93: {  	s2 =	sld [smem:$0x3FFC];
	_ =	sdelay $0x3  }
0x94: {  	_ =	strace s2  }
0x95: {  	s2 =	sld [smem:$0x3FFD];
	_ =	sdelay $0x3  }
0x96: {  	_ =	strace s2  }
0x97: {  	_ =	strace $0x8FFFFFFF  }
0x98: {  	s18 =	sld [smem:$0x3FDB];
	_ =	sdelay $0x1  }
0x99: {  	s19 =	simm.s32 $_scs_section_size  }
0x9a: {  	s4 =	simm.s32 $_size__tile_overlayer_lowered;
	s5 =	simm.s32 $_tile_overlayer_lowered  }
0x9b: {  	s22 =	simm.s32 $0x1BFF;
	s21 =	sshll.u32 s5, $0x1;
	s2 =	sadd.s32 s19, s18  }
0x9c: {  	s6 =	simm.s32 $0x0;
	s20 =	sshll.u32 s4, $0x1;
	s4 =	sadd.s32 s21, s2  }
0x9d: {  	[timem:s6], [sflag:s22] =	dma.local [hbm:s4], s20  }
0x9e: {  	_ =	swait.ge [sflag:s22], s20  }
0x9f: {  	s3 =	ssub.s32 $0x0, s20;
	[sflag:s22] =	ssyncset.done $0x0  }
0xa0: {  	[sflag:s22] =	ssyncadd.s32 s3;
	_ =	sdelay $0x1  }
0xa1: {  	s23 =	simm.s32 $0x1B8B  }
0xa2: {  	_ =	swait.ge [sflag:s23], $0x1  }
0xa3: {  	[sflag:s23] =	ssyncset.done $0x0  }
0xa4: {  	s25 =	simm.s32 $0x1B8E;
	s24 =	sld [smem:$0x3FFE];
	[sflag:s23] =	ssyncadd.s32 $0xFFFFFFFF  }
0xa5: {  	s26 =	simm.s32 $execute0_lowered;
	[smem:$0x3FD2] =	sst s25  }
0xa6: {  	s4 =	sshll.u32 s26, $0x1;
	_ =	strace $0x8000004C;
	[dreg:$0x1] =	wrdreg $0xFFFFFFFF  }
0xa7: {  	s28 =	simm.s32 $_size_execute0_lowered;
	s2 =	sadd.s32 s2, s4;
	[dreg:$0x0] =	wrdreg $0x0  }
0xa8: {  	s4 =	sshll.u32 s28, $0x1;
	[dreg:$0x2] =	wrdreg s2  }
0xa9: {  	[dreg:$0x3] =	wrdreg s4  }
0xaa: {  	[dreg:$0x4] =	wrdreg $0xC0  }
0xab: {  	_ =	task [dreg:s6], $0x5FFFF  }
0xac: {  	[dreg:$0x1] =	wrdreg $0xFFFFFFFF  }
0xad: {  	[dreg:$0x0] =	wrdreg $0x60  }
0xae: {  	[dreg:$0x2] =	wrdreg s24  }
0xaf: {  	[dreg:$0x3] =	wrdreg $0xAF000  }
0xb0: {  	[dreg:$0x4] =	wrdreg $0x9  }
0xb1: {  	_ =	task.clear_ibuf [dreg:s6], $0x5FFFF;
	_ =	strace $0x9000004C  }
0xb2: {  	s29 =	simm.s32 $0x9;
	_ =	strace $0x8000004E  }
0xb3: {  	_ =	swait.ge [sflag:s29], $0x1  }
0xb4: {  	[sflag:s29] =	ssyncadd.s32 $0xFFFFFFFF  }
0xb5: {  	_ =	strace $0x9000004E  }
0xb6: {  	_ =	sfence  }
0xb7: {  	s30 =	sld [smem:$0x0];
	_ =	sdelay $0x2  }
0xb8: {  	s31 =	sshll.u32 s1, $0xD;
	s1 =	sshrl.u32 s1, $0x2  }
0xb9: {  	s3 =	sand.u32 $0x4000, s31;
	s1 =	sadd.s32 s1, s30  }
0xba: {  	s0 =	sor.u32 s3, s0;
	s1 =	sshll.u32 s1, $0x11  }
0xbb: {  	s0 =	sor.u32 s1, s0  }
0xbc: {  	s0 =	sadd.s32 $0x8F2B, s0  }
0xbd: {  	[sflag:s0] =	ssyncadd.remote.s32 $0x1  }
0xbe: {  	_ =	sfence.sel $0xFFFF  }
0xbf: {  	[dreg:$0x0] =	wrdreg $0xFFFFFFFF;
	(pc) =	sbr.abs _section_cstart, $3  }
0xc0: {  	[dreg:$0x1] =	wrdreg $0xFFFFFFFF  }
0xc1: {  	_ =	task.clear_ibuf [dreg:s6], $0x2FFFF;
	_ =	strace $0x9FFFFFFF  }
0xc2: {  	(tm) =	ssettm $0x7FFFFFFF  }
0xc3: {  	_ =	shalt  }
tec
execute0_lowered:
.L_overlay_start_1:
0x0: {  	(tag) =	ssettag $0x1  }
0x1: {  	s5 =	rddreg [dreg:$0x0]  }
0x2: {  	s2 =	rddreg [dreg:$0x1];
	s3 =	srdreg.scid  }
0x3: {  	s1 =	stileid.u32;
	s0 =	rddreg [dreg:$0x2];
	s12 =	simm.s32 $0x2780  }
0x4: {  	s13 =	simm.s32 $0x5F00;
	s14 =	simm.s32 $0x80;
	s15 =	simm.s32 $0x4F00  }
0x5: {  	s16 =	simm.s32 $0x1;
	s17 =	simm.s32 $0x0;
	s6 =	sand.u32 $0x1, s3  }
0x6: {  	s8 =	smul.u32 $0x5000, s1;
	s3 =	simm.s32 $0x0;
	s4 =	sshll.u32 s6, $0x4  }
0x7: {  	s7 =	smul.u32 $0x50000, s6;
	[smem:$0x7FF] =	sst s3;
	s6 =	ssub.s32 $0x2, s6  }
0x8: {  	s4 =	sor.u32 s1, s4;
	_ =	strace $0x8000004D;
	s30 =	sshrl.u32 s6, $0x1  }
0x9: {  	s31 =	sshrl.u32 s8, $0x3;
	s9 =	smul.u32 $0x4F0, s4;
	s7 =	sadd.s32 s8, s7  }
0xa: {  	s4 =	sadd.s32 $0x16800, s5;
	s11 =	ssub.s32 s6, s30;
	s7 =	sshrl.u32 s7, $0x3  }
0xb: {  	s8 =	sadd.s32 s8, s2;
	s9 =	sadd.s32 s9, s5;
	s10 =	sadd.s32 s7, s5  }
0xc: {  	s7 =	sadd.s32 s4, s31;
	s5 =	sadd.s32 $0x2C00, s9;
	s6 =	sadd.s32 $0xCA00, s9  }
0xd: {  	s9 =	sadd.s32 $0x20800, s10;
	s10 =	smax.u32 s11, $0x1;
	s11 =	simm.s32 $0x2  }
.LBB2_1:
0xe: {  	[tilespmem:s3], [sflag:$0x2] =	stream.linear.gather [hbm4b:s5+s3], $0x2780, $0x38;
	[tilespmem:$0xFF00] =	vst v63  }
0xf: {  	_ =	swait.ge [sflag:s11], $0x2780  }
0x10: {  	[sflag:s11] =	ssyncset.done $0x0  }
0x11: {  	[sflag:s11] =	ssyncadd.s32 $0xFFFFD880  }
0x12: {  	[tilespmem:s12], [sflag:$0x2] =	stream.linear.gather [hbm4b:s6+s3], $0x2780, $0x38;
	[tilespmem:$0xFF00] =	vst v63  }
0x13: {  	_ =	swait.ge [sflag:s11], $0x2780  }
0x14: {  	[sflag:s11] =	ssyncset.done $0x0  }
0x15: {  	[sflag:s11] =	ssyncadd.s32 $0xFFFFD880  }
0x16: {  	[tilespmem:s13], [sflag:$0x2] =	stream.linear.gather [hbm4b:s7+s3], $0x5000, $0x38;
	[tilespmem:$0xFF00] =	vst v63  }
0x17: {  	_ =	swait.ge [sflag:s11], $0x5000  }
0x18: {  	[sflag:s11] =	ssyncset.done $0x0  }
0x19: {  	[sflag:s11] =	ssyncadd.s32 $0xFFFFB000  }
0x1a: {  	[spmem:s8] =	stream.linear.scatter [tilespmem:s13], [sflag:$0x2], $0x5000, $0x38;
	[tilespmem:$0xFF00] =	vst v63  }
0x1b: {  	_ =	swait.ge [sflag:s11], $0x5000  }
0x1c: {  	[sflag:s11] =	ssyncset.done $0x0  }
0x1d: {  	[sflag:s11] =	ssyncadd.s32 $0xFFFFB000  }
0x1e: {  	s18 =	simm.s32 $0x0;
	[bflag:$0x0] =	sbarrier.arrive $0xFFFF  }
0x1f: {  	[tilespmem:s15], [sflag:$0x1] =	stream.indirect.gather [hbm4b:s4+s14], $0x20, s18, s14, $0xb8;
	[tilespmem:$0xFF00] =	vst v63  }
0x20: {  	_ =	swait.ge [sflag:s16], $0x1000  }
0x21: {  	[sflag:s16] =	ssyncset.done $0x0  }
0x22: {  	s31 =	simm.s32 $0x2780;
	[sflag:s16] =	ssyncadd.s32 $0xFFFFF000  }
0x23: {  	[spmem:s2] =	stream.indirect.scatter.add.f32 [tilespmem:s15], [sflag:$0x2], $0x20, s31, s14, $0xb8;
	[tilespmem:$0xFF00] =	vst v63  }
0x24: {  	_ =	swait.ge [sflag:s11], $0x1000  }
0x25: {  	s19 =	simm.s32 $0x400;
	s18 =	simm.s32 $0x200;
	[sflag:s11] =	ssyncset.done $0x0  }
.LBB2_2:
0x26: {  	s20 =	sshra.s32 s18, $0x2  }
0x27: {  	[sflag:s11] =	ssyncadd.s32 $0xFFFFF000;
	s18 =	smov.u32 s19;
	s21 =	sadd.s32 $0x200, s19  }
0x28: {  	[tilespmem:s15], [sflag:$0x1] =	stream.indirect.gather [hbm4b:s4+s14], $0x20, s20, s14, $0xb8;
	[tilespmem:$0xFF00] =	vst v63  }
0x29: {  	p0 =	sne.s32 s19, $0x9C00;
	_ =	swait.ge [sflag:s16], $0x1000  }
.Ltmp0:
0x2a: {  	[sflag:s16] =	ssyncset.done $0x0;
	(pc) =	sbr.rel @p0 .LBB2_2-.Ltmp0, $4  }
0x2b: {  	s19 =	sadd.s32 $0x2780, s20;
	[sflag:s16] =	ssyncadd.s32 $0xFFFFF000  }
0x2c: {  	[spmem:s2] =	stream.indirect.scatter.add.f32 [tilespmem:s15], [sflag:$0x2], $0x20, s19, s14, $0xb8;
	[tilespmem:$0xFF00] =	vst v63  }
0x2d: {  	_ =	swait.ge [sflag:s11], $0x1000  }
0x2e: {  	s19 =	smov.u32 s21;
	[sflag:s11] =	ssyncset.done $0x0  }
0x2f: {  	s18 =	sshra.s32 s18, $0x2;
	[sflag:s11] =	ssyncadd.s32 $0xFFFFF000  }
0x30: {  	[tilespmem:s15], [sflag:$0x1] =	stream.indirect.gather [hbm4b:s4+s14], $0x20, s18, s14, $0xb8;
	[tilespmem:$0xFF00] =	vst v63  }
0x31: {  	_ =	swait.ge [sflag:s16], $0x1000  }
0x32: {  	[sflag:s16] =	ssyncset.done $0x0  }
0x33: {  	s18 =	sadd.s32 $0x2780, s18;
	[sflag:s16] =	ssyncadd.s32 $0xFFFFF000  }
0x34: {  	[spmem:s2] =	stream.indirect.scatter.add.f32 [tilespmem:s15], [sflag:$0x2], $0x20, s18, s14, $0xb8;
	[tilespmem:$0xFF00] =	vst v63  }
0x35: {  	_ =	swait.ge [sflag:s11], $0x1000  }
0x36: {  	[sflag:s11] =	ssyncset.done $0x0  }
0x37: {  	[sflag:s11] =	ssyncadd.s32 $0xFFFFF000  }
0x38: {  	[bflag:$0x0] =	sbarrier.arrive $0xFFFF  }
0x39: {  	[tilespmem:s13], [sflag:$0x2] =	stream.linear.gather [spmem:s8], $0x5000, $0x38;
	[tilespmem:$0xFF00] =	vst v63  }
0x3a: {  	s17 =	sadd.s32 $0x1, s17;
	_ =	swait.ge [sflag:s11], $0x5000  }
0x3b: {  	p0 =	sne.s32 s17, s10;
	[sflag:s11] =	ssyncset.done $0x0  }
.Ltmp1:
0x3c: {  	[sflag:s11] =	ssyncadd.s32 $0xFFFFB000;
	(pc) =	sbr.rel @p0 .LBB2_1-.Ltmp1, $4  }
0x3d: {  	[hbm4b:s9+s3] =	stream.linear.scatter [tilespmem:s13], [sflag:$0x2], $0x5000, $0x38;
	[tilespmem:$0xFF00] =	vst v63  }
0x3e: {  	_ =	swait.ge [sflag:s11], $0x5000  }
0x3f: {  	[sflag:s11] =	ssyncset.done $0x0  }
0x40: {  	[sflag:s11] =	ssyncadd.s32 $0xFFFFB000  }
0x41: {  	_ =	sfence.sel $0x180000  }
0x42: {  	[bflag:$0x0] =	sbarrier.arrive $0xFFFF  }
0x43: {  	p0 =	sne.s32 s1, $0x0;
	_ =	strace $0x9000004D  }
0x44: {  	s0 =	sadd.s32 @!p0 $0x100000, s0;
	[bflag:$0x2] =	sbarrier.arrive $0xFFFF  }
0x45: {  	[sflag:s0] =	ssyncadd.tile.s32 @!p0 $0x1;
	_ =	shalt  }
.Lfunc_end2:
_tile_overlayer_lowered:
.L_overlay_start_2:
0x46: {  	(tag) =	ssettag $0x2  }
0x47: {  	s0 =	rddreg [dreg:$0x0];
	s2 =	stileid.u32  }
0x48: {  	s1 =	rddreg [dreg:$0x1];
	p0 =	sne.s32 s2, $0x0  }
0x49: {  	s3 =	rddreg [dreg:$0x2];
	[bflag:$0x3] =	sbarrier.arrive $0xFFFF;
	s2 =	simm.s32 @!p0 $0x1C02  }
0x4a: {  	[timem:s3], [sflag:s2] =	dma.local @!p0 [hbm:s0], s1  }
0x4b: {  	s0 =	simm.s32 @!p0 $0x2  }
0x4c: {  	_ =	swait.ge @!p0 [sflag:s0], s1  }
0x4d: {  	s1 =	ssub.s32 @!p0 $0x0, s1;
	[sflag:s0] =	ssyncset.done @!p0 $0x0  }
0x4e: {  	[sflag:s0] =	ssyncadd.s32 @!p0 s1  }
0x4f: {  	[bflag:$0x3] =	sbarrier.arrive $0xFFFF  }
0x50: {  	_ =	shalt  }

// kernel: kernel.8.cloned.1.call-start
scs
__scs_entry_jumppad:
0x0: {  	(pc) =	sbr.rel $0x88, $3  }
0x1: {  	(tag) =	ssettag $0x0;
	lr =	simm.s32 $0x1  }
0x2: {  	[smem:$0x3F95] =	sst lr;
	_ =	strace $0xD0000000  }
0x3: {  	_ = 	snop  }
0x4: {  	_ = 	snop  }
0x5: {  	_ = 	snop  }
0x6: {  	_ = 	snop  }
0x7: {  	_ = 	snop  }
__scs_overlays_trampoline_lowered:
0x8: {  	[smem:$0x3FA4] =	sst s0  }
0x9: {  	[smem:$0x3FA5] =	sst s1  }
0xa: {  	[smem:$0x3FA6] =	sst s2  }
0xb: {  	[smem:$0x3FA7] =	sst s3  }
0xc: {  	[smem:$0x3FA8] =	sst s4  }
0xd: {  	[smem:$0x3FA9] =	sst s5  }
0xe: {  	[smem:$0x3FAA] =	sst s6  }
0xf: {  	[smem:$0x3FAB] =	sst s7  }
0x10: {  	[smem:$0x3FAC] =	sst s8  }
0x11: {  	[smem:$0x3FAD] =	sst s9;
	s0 =	simm.s32 @!p0 $0x0  }
0x12: {  	s1 =	sld [smem:$0x3F93];
	s0 =	simm.s32 @p0 $0x1  }
0x13: {  	[smem:$0x3FAE] =	sst s0;
	s0 =	simm.s32 @!p1 $0x0  }
0x14: {  	s2 =	sld [smem:$0x3F92];
	s0 =	simm.s32 @p1 $0x1  }
0x15: {  	[smem:$0x3FAF] =	sst s0;
	s0 =	simm.s32 @!p2 $0x0  }
0x16: {  	s3 =	sld [smem:$0x3FDB];
	s0 =	simm.s32 @p2 $0x1  }
0x17: {  	s4 =	simm.s32 $0x1BF5;
	[smem:$0x3FB1] =	sst s0  }
0x18: {  	s0 =	sld [smem:$0x3F94];
	_ =	swait.ge [sflag:s4], $0x0  }
0x19: {  	s7 =	sld [smem:$0x3F95]  }
0x1a: {  	s8 =	sadd.s32 $0xFFFFE003, lr  }
0x1b: {  	s9 =	sadd.s32 $0xFFFFFEF7, lr;
	s5 =	simm.s32 $0xFFFFFFFF;
	p2 =	slt.u32 s8, $0xFFFFF086  }
0x1c: {  	p1 =	slt.u32 s9, $0xF7A;
	s5 =	simm.s32 @!p2 $0x0  }
0x1d: {  	s5 =	simm.s32 @p1 $0x1;
	p0 =	seq.s32 s7, s2  }
0x1e: {  	s7 =	smul.u32 @!p0 $0xF7A, s2;
	p2 =	seq.s32 @!p0 s5, $0x0  }
0x1f: {  	s9 =	smul.u32 $0xF7A, s1;
	s8 =	simm.s32 @!p0 $0x1BF5;
	p2 =	por !p2, p0  }
0x20: {  	[sflag:s8] =	ssyncset.s32 @!p0 $0xFFFFF086;
	s6 =	sadd.s32 @!p0 s3, s7;
	s7 =	simm.s32 @!p0 $0x108  }
0x21: {  	s3 =	sadd.s32 s3, s9;
	s6 =	sadd.s32 @!p0 $0x88, s6;
	s7 =	simm.s32 @p2 $0x1082  }
0x22: {  	[simem:s7], [sflag:s8] =	dma.local @!p0 [hbm:s6], $0xF7A  }
0x23: {  	s9 =	sor.u32 $0xD0000000, s2;
	s6 =	simm.s32 $0x108;
	_ =	swait.ge @!p0 [sflag:s8], $0x0  }
0x24: {  	s3 =	sadd.s32 $0x88, s3;
	s6 =	simm.s32 @!p1 $0x1082;
	[sflag:s4] =	ssyncset.s32 $0xFFFFF086  }
0x25: {  	[simem:s6], [sflag:s4] =	dma.local [hbm:s3], $0xF7A  }
0x26: {  	[smem:$0x3F95] =	sst s1;
	(tag) =	ssettag s2;
	_ =	strace s9  }
0x27: {  	s1 =	sld [smem:$0x3FA5]  }
0x28: {  	s2 =	sld [smem:$0x3FA6]  }
0x29: {  	s4 =	sld [smem:$0x3FA8]  }
0x2a: {  	p0 =	seq.s32 s5, $0x0;
	s5 =	sld [smem:$0x3FA9]  }
0x2b: {  	s6 =	sld [smem:$0x3FAA]  }
0x2c: {  	s7 =	sld [smem:$0x3FAB]  }
0x2d: {  	s3 =	simm.s32 $0x108;
	s8 =	sld [smem:$0x3FAC]  }
0x2e: {  	s3 =	simm.s32 @!p0 $0x1082;
	s9 =	sld [smem:$0x3FAD]  }
0x2f: {  	lr =	sadd.s32 s0, s3;
	s0 =	sld [smem:$0x3FA4]  }
0x30: {  	s3 =	sld [smem:$0x3FA7]  }
0x31: {  	[smem:$0x3FB0] =	sst s10  }
0x32: {  	s10 =	sld [smem:$0x3FAE];
	_ =	sdelay $0x3  }
0x33: {  	p0 =	seq.s32 s10, $0x1;
	s10 =	sld [smem:$0x3FB0];
	_ =	sdelay $0x3  }
0x34: {  	[smem:$0x3FB0] =	sst s10  }
0x35: {  	s10 =	sld [smem:$0x3FAF];
	_ =	sdelay $0x3  }
0x36: {  	p1 =	seq.s32 s10, $0x1;
	s10 =	sld [smem:$0x3FB0];
	_ =	sdelay $0x3  }
0x37: {  	[smem:$0x3FB0] =	sst s10  }
0x38: {  	s10 =	sld [smem:$0x3FB1]  }
0x39: {  	_ = 	snop;
	(pc) =	sbr.ind lr, $3  }
0x3a: {  	_ = 	snop  }
0x3b: {  	_ = 	snop  }
0x3c: {  	p2 =	seq.s32 s10, $0x1;
	s10 =	sld [smem:$0x3FB0]  }
0x3d: {  	_ =	shalt  }
0x3e: {  	_ =	shalt  }
0x3f: {  	_ =	shalt  }
0x40: {  	_ =	shalt  }
0x41: {  	_ =	shalt  }
0x42: {  	_ =	shalt  }
0x43: {  	_ =	shalt  }
0x44: {  	_ =	shalt  }
0x45: {  	_ =	shalt  }
0x46: {  	_ =	shalt  }
0x47: {  	_ =	shalt  }
0x48: {  	_ =	shalt  }
0x49: {  	_ =	shalt  }
0x4a: {  	_ =	shalt  }
0x4b: {  	_ =	shalt  }
0x4c: {  	_ =	shalt  }
0x4d: {  	_ =	shalt  }
0x4e: {  	_ =	shalt  }
0x4f: {  	_ =	shalt  }
0x50: {  	_ =	shalt  }
0x51: {  	_ =	shalt  }
0x52: {  	_ =	shalt  }
0x53: {  	_ =	shalt  }
0x54: {  	_ =	shalt  }
0x55: {  	_ =	shalt  }
0x56: {  	_ =	shalt  }
0x57: {  	_ =	shalt  }
0x58: {  	_ =	shalt  }
0x59: {  	_ =	shalt  }
0x5a: {  	_ =	shalt  }
0x5b: {  	_ =	shalt  }
0x5c: {  	_ =	shalt  }
0x5d: {  	_ =	shalt  }
0x5e: {  	_ =	shalt  }
0x5f: {  	_ =	shalt  }
0x60: {  	_ =	shalt  }
0x61: {  	_ =	shalt  }
0x62: {  	_ =	shalt  }
0x63: {  	_ =	shalt  }
0x64: {  	_ =	shalt  }
0x65: {  	_ =	shalt  }
0x66: {  	_ =	shalt  }
0x67: {  	_ =	shalt  }
0x68: {  	_ =	shalt  }
0x69: {  	_ =	shalt  }
0x6a: {  	_ =	shalt  }
0x6b: {  	_ =	shalt  }
0x6c: {  	_ =	shalt  }
0x6d: {  	_ =	shalt  }
0x6e: {  	_ =	shalt  }
0x6f: {  	_ =	shalt  }
0x70: {  	_ =	shalt  }
0x71: {  	_ =	shalt  }
0x72: {  	_ =	shalt  }
0x73: {  	_ =	shalt  }
0x74: {  	_ =	shalt  }
0x75: {  	_ =	shalt  }
0x76: {  	_ =	shalt  }
0x77: {  	_ =	shalt  }
0x78: {  	_ =	shalt  }
0x79: {  	_ =	shalt  }
0x7a: {  	_ =	shalt  }
0x7b: {  	_ =	shalt  }
0x7c: {  	_ =	shalt  }
0x7d: {  	_ =	shalt  }
0x7e: {  	_ =	shalt  }
0x7f: {  	_ =	shalt  }
0x80: {  	_ =	shalt  }
0x81: {  	_ =	shalt  }
0x82: {  	_ =	shalt  }
0x83: {  	_ =	shalt  }
0x84: {  	_ =	shalt  }
0x85: {  	_ =	shalt  }
0x86: {  	_ =	shalt  }
0x87: {  	_ =	shalt  }
.Lfunc_end0:
.L_simem_size_0:
called_computation_lowered:
.L_overlay_start_0:
0x88: {  	s2 =	sld [smem:$0x3FD9]  }
0x89: {  	s3 =	sld [smem:$0x3FFE];
	_ =	sdelay $0x1  }
0x8a: {  	s1 =	srdreg.scid  }
0x8b: {  	s0 =	sand.u32 $0x1, s1  }
0x8c: {  	s16 =	sshll.u32 s0, $0xA;
	s2 =	sadd.s32 s3, s2  }
0x8d: {  	s2 =	sadd.s32 s2, s16  }
0x8e: {  	[smem:$0x3FBC] =	sst s2  }
0x8f: {  	_ = 	snop  }
0x90: {  	(tm) =	ssettm $0x1  }
0x91: {  	s17 =	sld [smem:$0x3FFB];
	_ =	sdelay $0x3  }
0x92: {  	_ =	strace s17  }
0x93: {  	s2 =	sld [smem:$0x3FFC];
	_ =	sdelay $0x3  }
0x94: {  	_ =	strace s2  }
0x95: {  	s2 =	sld [smem:$0x3FFD];
	_ =	sdelay $0x3  }
0x96: {  	_ =	strace s2  }
0x97: {  	_ =	strace $0x8FFFFFFF  }
0x98: {  	s18 =	sld [smem:$0x3FDB];
	_ =	sdelay $0x1  }
0x99: {  	s19 =	simm.s32 $_scs_section_size  }
0x9a: {  	s4 =	simm.s32 $_size__tile_overlayer_lowered;
	s5 =	simm.s32 $_tile_overlayer_lowered  }
0x9b: {  	s22 =	simm.s32 $0x1BFF;
	s21 =	sshll.u32 s5, $0x1;
	s2 =	sadd.s32 s19, s18  }
0x9c: {  	s6 =	simm.s32 $0x0;
	s20 =	sshll.u32 s4, $0x1;
	s4 =	sadd.s32 s21, s2  }
0x9d: {  	[timem:s6], [sflag:s22] =	dma.local [hbm:s4], s20  }
0x9e: {  	_ =	swait.ge [sflag:s22], s20  }
0x9f: {  	s3 =	ssub.s32 $0x0, s20;
	[sflag:s22] =	ssyncset.done $0x0  }
0xa0: {  	[sflag:s22] =	ssyncadd.s32 s3;
	_ =	sdelay $0x1  }
0xa1: {  	s23 =	simm.s32 $0x1B8B  }
0xa2: {  	_ =	swait.ge [sflag:s23], $0x1  }
0xa3: {  	[sflag:s23] =	ssyncset.done $0x0  }
0xa4: {  	s25 =	simm.s32 $0x1B8E;
	s24 =	sld [smem:$0x3FFE];
	[sflag:s23] =	ssyncadd.s32 $0xFFFFFFFF  }
0xa5: {  	s26 =	simm.s32 $execute0_lowered;
	[smem:$0x3FD2] =	sst s25  }
0xa6: {  	s4 =	sshll.u32 s26, $0x1;
	_ =	strace $0x80000046;
	[dreg:$0x1] =	wrdreg $0xFFFFFFFF  }
0xa7: {  	s28 =	simm.s32 $_size_execute0_lowered;
	s2 =	sadd.s32 s2, s4;
	[dreg:$0x0] =	wrdreg $0x0  }
0xa8: {  	s4 =	sshll.u32 s28, $0x1;
	[dreg:$0x2] =	wrdreg s2  }
0xa9: {  	[dreg:$0x3] =	wrdreg s4  }
0xaa: {  	[dreg:$0x4] =	wrdreg $0xC0  }
0xab: {  	_ =	task [dreg:s6], $0x5FFFF  }
0xac: {  	[dreg:$0x1] =	wrdreg $0xFFFFFFFF  }
0xad: {  	[dreg:$0x0] =	wrdreg $0x60  }
0xae: {  	[dreg:$0x2] =	wrdreg s24  }
0xaf: {  	[dreg:$0x3] =	wrdreg $0x3F800  }
0xb0: {  	[dreg:$0x4] =	wrdreg $0x9  }
0xb1: {  	_ =	task.clear_ibuf [dreg:s6], $0x5FFFF;
	_ =	strace $0x90000046  }
0xb2: {  	s29 =	simm.s32 $0x9;
	_ =	strace $0x80000048  }
0xb3: {  	_ =	swait.ge [sflag:s29], $0x1  }
0xb4: {  	[sflag:s29] =	ssyncadd.s32 $0xFFFFFFFF  }
0xb5: {  	_ =	strace $0x90000048  }
0xb6: {  	_ =	sfence  }
0xb7: {  	s30 =	sld [smem:$0x0];
	_ =	sdelay $0x2  }
0xb8: {  	s31 =	sshll.u32 s1, $0xD;
	s1 =	sshrl.u32 s1, $0x2  }
0xb9: {  	s3 =	sand.u32 $0x4000, s31;
	s1 =	sadd.s32 s1, s30  }
0xba: {  	s0 =	sor.u32 s3, s0;
	s1 =	sshll.u32 s1, $0x11  }
0xbb: {  	s0 =	sor.u32 s1, s0  }
0xbc: {  	s0 =	sadd.s32 $0x8F2B, s0  }
0xbd: {  	[sflag:s0] =	ssyncadd.remote.s32 $0x1  }
0xbe: {  	_ =	sfence.sel $0xFFFF  }
0xbf: {  	[dreg:$0x0] =	wrdreg $0xFFFFFFFF;
	(pc) =	sbr.abs _section_cstart, $3  }
0xc0: {  	[dreg:$0x1] =	wrdreg $0xFFFFFFFF  }
0xc1: {  	_ =	task.clear_ibuf [dreg:s6], $0x2FFFF;
	_ =	strace $0x9FFFFFFF  }
0xc2: {  	(tm) =	ssettm $0x7FFFFFFF  }
0xc3: {  	_ =	shalt  }
tec
execute0_lowered:
.L_overlay_start_1:
0x0: {  	(tag) =	ssettag $0x1  }
0x1: {  	s6 =	rddreg [dreg:$0x0]  }
0x2: {  	s2 =	rddreg [dreg:$0x1]  }
0x3: {  	s0 =	rddreg [dreg:$0x2]  }
0x4: {  	s4 =	srdreg.scid;
	s1 =	stileid.u32  }
0x5: {  	s3 =	simm.s32 $0x0;
	s12 =	simm.s32 $0x2B80;
	s13 =	simm.s32 $0x80  }
0x6: {  	s14 =	simm.s32 $0x0;
	s5 =	sand.u32 $0x1, s4;
	s7 =	smul.u32 $0x1400, s1  }
0x7: {  	[smem:$0x7FF] =	sst s3;
	s4 =	sadd.s32 $0x2A00, s6;
	s8 =	sshll.u32 s5, $0x4  }
0x8: {  	s9 =	smul.u32 $0x14000, s5;
	s10 =	ssub.s32 $0x2, s5;
	s8 =	sor.u32 s1, s8  }
0x9: {  	_ =	strace $0x80000047;
	s11 =	sshrl.u32 s10, $0x1;
	s8 =	smul.u32 $0x4F0, s8  }
0xa: {  	s5 =	sadd.s32 $0x2600, s6;
	s9 =	sadd.s32 s7, s9;
	s10 =	ssub.s32 s10, s11  }
0xb: {  	s7 =	sadd.s32 s7, s2;
	s9 =	sshrl.u32 s9, $0x3;
	s8 =	sadd.s32 s8, s6  }
0xc: {  	s11 =	simm.s32 $0x2780;
	s9 =	sadd.s32 s9, s6;
	s6 =	sadd.s32 $0xCA00, s8  }
0xd: {  	s8 =	sadd.s32 $0x16800, s9;
	s9 =	smax.u32 s10, $0x1;
	s10 =	simm.s32 $0x1  }
.LBB2_1:
0xe: {  	[tilespmem:s3], [sflag:$0x1] =	stream.linear.gather [hbm4b:s6+s3], $0x2780, $0x38;
	[tilespmem:$0x4200] =	vst v63  }
0xf: {  	_ =	swait.ge [sflag:s10], $0x2780  }
0x10: {  	[sflag:s10] =	ssyncset.done $0x0  }
0x11: {  	[sflag:s10] =	ssyncadd.s32 $0xFFFFD880  }
0x12: {  	[tilespmem:s11], [sflag:$0x1] =	stream.linear.gather [hbm4b:s4+s3], $0x400, $0x38;
	[tilespmem:$0x4200] =	vst v63  }
0x13: {  	_ =	swait.ge [sflag:s10], $0x400  }
0x14: {  	[sflag:s10] =	ssyncset.done $0x0  }
0x15: {  	[sflag:s10] =	ssyncadd.s32 $0xFFFFFC00  }
0x16: {  	[tilespmem:s12], [sflag:$0x1] =	stream.linear.gather [hbm4b:s5+s3], $0x1400, $0x38;
	[tilespmem:$0x4200] =	vst v63  }
0x17: {  	_ =	swait.ge [sflag:s10], $0x1400  }
0x18: {  	[sflag:s10] =	ssyncset.done $0x0  }
0x19: {  	[sflag:s10] =	ssyncadd.s32 $0xFFFFEC00  }
0x1a: {  	[spmem:s7] =	stream.linear.scatter [tilespmem:s12], [sflag:$0x1], $0x1400, $0x38;
	[tilespmem:$0x4200] =	vst v63  }
0x1b: {  	_ =	swait.ge [sflag:s10], $0x1400  }
0x1c: {  	[sflag:s10] =	ssyncset.done $0x0  }
0x1d: {  	[sflag:s10] =	ssyncadd.s32 $0xFFFFEC00  }
0x1e: {  	s15 =	simm.s32 $0x0;
	[bflag:$0x0] =	sbarrier.arrive $0xFFFF  }
0x1f: {  	[spmem:s2] =	stream.indirect.scatter.add.f32 [tilespmem:s11], [sflag:$0x1], $0x1, s15, s13, $0xb8;
	[tilespmem:$0x4200] =	vst v63  }
0x20: {  	_ =	swait.ge [sflag:s10], $0x80  }
0x21: {  	s15 =	simm.s32 $0x200;
	[sflag:s10] =	ssyncset.done $0x0  }
.LBB2_2:
0x22: {  	s16 =	sshra.s32 s15, $0x2;
	[sflag:s10] =	ssyncadd.s32 $0xFFFFFF80;
	p0 =	sne.s32 s15, $0x9C00  }
0x23: {  	[spmem:s2] =	stream.indirect.scatter.add.f32 [tilespmem:s11], [sflag:$0x1], $0x1, s16, s13, $0xb8;
	[tilespmem:$0x4200] =	vst v63  }
.Ltmp0:
0x24: {  	_ = 	snop;
	(pc) =	sbr.rel @p0 .LBB2_2-.Ltmp0, $4  }
0x25: {  	_ = 	snop  }
0x26: {  	s15 =	sadd.s32 $0x200, s15  }
0x27: {  	_ =	swait.ge [sflag:s10], $0x80  }
0x28: {  	[sflag:s10] =	ssyncset.done $0x0  }
0x29: {  	[sflag:s10] =	ssyncadd.s32 $0xFFFFFF80  }
0x2a: {  	[bflag:$0x0] =	sbarrier.arrive $0xFFFF  }
0x2b: {  	[tilespmem:s12], [sflag:$0x1] =	stream.linear.gather [spmem:s7], $0x1400, $0x38;
	[tilespmem:$0x4200] =	vst v63  }
0x2c: {  	s14 =	sadd.s32 $0x1, s14;
	_ =	swait.ge [sflag:s10], $0x1400  }
0x2d: {  	p0 =	sne.s32 s14, s9;
	[sflag:s10] =	ssyncset.done $0x0  }
.Ltmp1:
0x2e: {  	[sflag:s10] =	ssyncadd.s32 $0xFFFFEC00;
	(pc) =	sbr.rel @p0 .LBB2_1-.Ltmp1, $4  }
0x2f: {  	[hbm4b:s8+s3] =	stream.linear.scatter [tilespmem:s12], [sflag:$0x1], $0x1400, $0x38;
	[tilespmem:$0x4200] =	vst v63  }
0x30: {  	_ =	swait.ge [sflag:s10], $0x1400  }
0x31: {  	[sflag:s10] =	ssyncset.done $0x0  }
0x32: {  	[sflag:s10] =	ssyncadd.s32 $0xFFFFEC00  }
0x33: {  	_ =	sfence.sel $0x180000  }
0x34: {  	[bflag:$0x0] =	sbarrier.arrive $0xFFFF  }
0x35: {  	p0 =	sne.s32 s1, $0x0;
	_ =	strace $0x90000047  }
0x36: {  	s0 =	sadd.s32 @!p0 $0x100000, s0;
	[bflag:$0x2] =	sbarrier.arrive $0xFFFF  }
0x37: {  	[sflag:s0] =	ssyncadd.tile.s32 @!p0 $0x1;
	_ =	shalt  }
.Lfunc_end2:
_tile_overlayer_lowered:
.L_overlay_start_2:
0x38: {  	(tag) =	ssettag $0x2  }
0x39: {  	s0 =	rddreg [dreg:$0x0];
	s2 =	stileid.u32  }
0x3a: {  	s1 =	rddreg [dreg:$0x1];
	p0 =	sne.s32 s2, $0x0  }
0x3b: {  	s3 =	rddreg [dreg:$0x2];
	[bflag:$0x3] =	sbarrier.arrive $0xFFFF;
	s2 =	simm.s32 @!p0 $0x1C01  }
0x3c: {  	[timem:s3], [sflag:s2] =	dma.local @!p0 [hbm:s0], s1  }
0x3d: {  	s0 =	simm.s32 @!p0 $0x1  }
0x3e: {  	_ =	swait.ge @!p0 [sflag:s0], s1  }
0x3f: {  	s1 =	ssub.s32 @!p0 $0x0, s1;
	[sflag:s0] =	ssyncset.done @!p0 $0x0  }
0x40: {  	[sflag:s0] =	ssyncadd.s32 @!p0 s1  }
0x41: {  	[bflag:$0x3] =	sbarrier.arrive $0xFFFF  }
0x42: {  	_ =	shalt  }

</sc_bundles>
